<compile_context>
chip_gen: v7x
topology: tpu7x:2x2x1
jax: 0.10.2.dev20260603
libtpu: 0.0.44.dev20260713+nightly
codegen_flags: <defaults>
</compile_context>

<pallas_src>
import functools

import jax
import jax.numpy as jnp
from jax import lax
from jax.experimental import pallas as pl
from jax.experimental.pallas import tpu as pltpu
from jax.experimental.pallas import tpu_sc as plsc

MAXW = 10
NT = 2048
NC = NT * MAXW
NUM_TOP = 819
SEL_PAD = 832
STAGE1 = 1536


def _greedy_loop(order_v, sel_v, s2e_v, e2s_v, i_lo, i_hi, count0, v_lim):
    iota = lax.iota(jnp.int32, 16)
    lane0 = iota < 1

    def body(i, count):
        pack = order_v[pl.ds(i, 16)][0]
        s = pack >> 12
        e = pack & 4095
        ts = s + iota
        tmask = ts <= e
        tsc = jnp.minimum(ts, NT - 1)
        me = plsc.load_gather(s2e_v, [tsc])
        ms = plsc.load_gather(e2s_v, [tsc])
        bad = ((tmask & (ts > s) & (me > e))
               | (tmask & (ts < e) & (ms >= 0) & (ms < s)))
        nbad = plsc.all_reduce_population_count(bad)[0]
        take = (count < NUM_TOP) & (nbad == 0)
        if v_lim is not None:
            take = take & (i < v_lim)
        wmask = lane0 & take

        sv = jnp.full((16,), s, jnp.int32)
        ev = jnp.full((16,), jnp.minimum(e, NT - 1), jnp.int32)
        plsc.store_scatter(sel_v, [jnp.full((16,), count, jnp.int32)],
                           jnp.full((16,), 9 * s + e, jnp.int32),
                           mask=wmask)
        new_me = jnp.maximum(me[0], e)
        plsc.store_scatter(s2e_v, [sv],
                           jnp.full((16,), new_me, jnp.int32),
                           mask=wmask)
        old_ms = plsc.load_gather(e2s_v, [ev])[0]
        new_ms = jnp.where((old_ms == -1) | (s < old_ms), s, old_ms)
        plsc.store_scatter(e2s_v, [ev],
                           jnp.full((16,), new_ms, jnp.int32),
                           mask=wmask)

        return count + jnp.where(take, 1, 0).astype(jnp.int32)

    return lax.fori_loop(i_lo, i_hi, body, count0, unroll=4)


def _is_main():
    return (lax.axis_index("c") == 0) & (lax.axis_index("s") == 0)


def _stage1_body(order_hbm, sel_hbm, cnt_hbm, s2e_hbm, e2s_hbm,
                 order_v, sel_v, cnt_v, s2e_v, e2s_v):
    pltpu.sync_copy(order_hbm, order_v.at[pl.ds(0, STAGE1)])
    neg1 = jnp.full((16,), -1, jnp.int32)

    def init_maps(j, carry):
        s2e_v[pl.ds(j * 16, 16)] = neg1
        e2s_v[pl.ds(j * 16, 16)] = neg1
        return carry

    lax.fori_loop(0, NT // 16, init_maps, 0)

    def init_sel(j, carry):
        sel_v[pl.ds(j * 16, 16)] = neg1
        return carry

    lax.fori_loop(0, SEL_PAD // 16, init_sel, 0)

    count = _greedy_loop(order_v, sel_v, s2e_v, e2s_v,
                         0, STAGE1, jnp.int32(0), None)
    cnt_v[pl.ds(0, 16)] = jnp.full((16,), count, jnp.int32)

    @pl.when(_is_main())
    def _():
        pltpu.sync_copy(sel_v, sel_hbm)
        pltpu.sync_copy(cnt_v, cnt_hbm)
        pltpu.sync_copy(s2e_v, s2e_hbm)
        pltpu.sync_copy(e2s_v, e2s_hbm)


def _stage2_body(order_hbm, vcnt_hbm, sel_in, cnt_in, s2e_in, e2s_in,
                 sel_hbm, cnt_hbm,
                 order_v, vcnt_v, sel_v, cnt_v, s2e_v, e2s_v):
    pltpu.sync_copy(order_hbm, order_v.at[pl.ds(0, NC)])
    pltpu.sync_copy(vcnt_hbm, vcnt_v)
    pltpu.sync_copy(sel_in, sel_v)
    pltpu.sync_copy(cnt_in, cnt_v)
    pltpu.sync_copy(s2e_in, s2e_v)
    pltpu.sync_copy(e2s_in, e2s_v)

    count0 = cnt_v[...][0]
    v_lim = vcnt_v[...][0]
    count = _greedy_loop(order_v, sel_v, s2e_v, e2s_v,
                         STAGE1, NC, count0, v_lim)
    cnt_v[pl.ds(0, 16)] = jnp.full((16,), count, jnp.int32)

    @pl.when(_is_main())
    def _():
        pltpu.sync_copy(sel_v, sel_hbm)
        pltpu.sync_copy(cnt_v, cnt_hbm)


def _sc_params():
    return dict(
        mesh=plsc.VectorSubcoreMesh(core_axis_name="c", subcore_axis_name="s"),
        compiler_params=pltpu.CompilerParams(needs_layout_passes=False),
    )


def _stage1_call(order_packed):
    return pl.kernel(
        _stage1_body,
        out_type=(jax.ShapeDtypeStruct((SEL_PAD,), jnp.int32),
                  jax.ShapeDtypeStruct((16,), jnp.int32),
                  jax.ShapeDtypeStruct((NT,), jnp.int32),
                  jax.ShapeDtypeStruct((NT,), jnp.int32)),
        scratch_types=[
            pltpu.VMEM((STAGE1 + 16,), jnp.int32),
            pltpu.VMEM((SEL_PAD,), jnp.int32),
            pltpu.VMEM((16,), jnp.int32),
            pltpu.VMEM((NT,), jnp.int32),
            pltpu.VMEM((NT,), jnp.int32),
        ],
        **_sc_params(),
    )(order_packed)


def _stage2_call(order_packed, vcnt, sel1, cnt1, s2e1, e2s1):
    return pl.kernel(
        _stage2_body,
        out_type=(jax.ShapeDtypeStruct((SEL_PAD,), jnp.int32),
                  jax.ShapeDtypeStruct((16,), jnp.int32)),
        scratch_types=[
            pltpu.VMEM((NC + 16,), jnp.int32),
            pltpu.VMEM((16,), jnp.int32),
            pltpu.VMEM((SEL_PAD,), jnp.int32),
            pltpu.VMEM((16,), jnp.int32),
            pltpu.VMEM((NT,), jnp.int32),
            pltpu.VMEM((NT,), jnp.int32),
        ],
        **_sc_params(),
    )(order_packed, vcnt, sel1, cnt1, s2e1, e2s1)


def _emdot(a, b):
    return jnp.dot(a.astype(jnp.bfloat16), b.astype(jnp.bfloat16),
                   preferred_element_type=jnp.float32)


def kernel(token_emb, sentence_map, attn_w, attn_b, width_emb, W1, b1, W2, b2):
    N = token_emb.shape[0]
    t = jnp.arange(N, dtype=jnp.int32)
    dd = jnp.arange(MAXW, dtype=jnp.int32)
    starts = jnp.repeat(t, MAXW)
    ends = starts + jnp.tile(dd, N)
    start_sent = jnp.take(sentence_map, starts, axis=0)
    end_sent = jnp.take(sentence_map, jnp.minimum(ends, N - 1), axis=0)
    valid = (ends < N) & (start_sent == end_sent)
    ce_safe = jnp.minimum(ends, N - 1)

    start_emb = jnp.take(token_emb, starts, axis=0)
    end_emb = jnp.take(token_emb, ce_safe, axis=0)
    w_emb = jnp.take(width_emb, ce_safe - starts, axis=0)
    token_attn = _emdot(token_emb, attn_w) + attn_b
    doc_range = jnp.arange(N)[None, :]
    span_mask = (doc_range >= starts[:, None]) & (doc_range <= ce_safe[:, None])
    attn_logits = jnp.where(span_mask, token_attn[None, :], jnp.float32(-1e30))
    attn_probs = jax.nn.softmax(attn_logits, axis=1)
    attended = _emdot(attn_probs, token_emb)
    span_emb = jnp.concatenate([start_emb, end_emb, w_emb, attended], axis=1)
    h = jax.nn.relu(_emdot(span_emb, W1) + b1)
    scores = (_emdot(h, W2) + b2)[:, 0]

    num_top = int(0.4 * N)
    sort_key = jnp.where(valid, scores, jnp.float32(-jnp.inf))
    pack_all = ((starts << 12) | ends).astype(jnp.int32)
    _, top_idx = lax.top_k(sort_key, STAGE1)
    packed1 = jnp.take(pack_all, top_idx)

    sel1, cnt1, s2e1, e2s1 = _stage1_call(packed1)

    vcnt = jnp.full((16,), jnp.sum(valid.astype(jnp.int32)), jnp.int32)

    def _cont(_):
        order = jnp.argsort(-sort_key)
        packed_full = jnp.take(pack_all, order)
        return _stage2_call(packed_full, vcnt, sel1, cnt1, s2e1, e2s1)

    def _done(_):
        return sel1, cnt1

    sel_pad, cnt = lax.cond(cnt1[0] < NUM_TOP, _cont, _done, 0)
    sel = sel_pad[:num_top]
    count = cnt[0]

    slot = jnp.arange(num_top, dtype=jnp.int32)
    filled = slot < count
    key = jnp.where(filled,
                    jnp.take(starts, sel, mode='clip') * jnp.int32(N + MAXW)
                    + jnp.take(ends, sel, mode='clip'),
                    jnp.int32(jnp.iinfo(jnp.int32).max))
    perm = jnp.argsort(key)
    sel_sorted = jnp.take(sel, perm)
    sel_sorted = jnp.where(jnp.take(filled, perm), sel_sorted, sel_sorted[0])
    return (jnp.take(starts, sel_sorted), jnp.take(ends, sel_sorted),
            jnp.take(scores, sel_sorted))

# --- scband reference (transcript-rebuilt; emitter-appended) ---
"""Pipeline reference for scband-c2-f-model-35038343201527 (READ-ONLY COPY).

The authoritative reference and input builder live on the scoring server;
editing this copy changes nothing except your own understanding.
"""

import jax, jax.numpy as jnp
import numpy as np

MAX_SPAN_WIDTH = 10
FEATURE_EMB_SIZE = 20
HIDDEN = 768
FFNN_SIZE = 1000
TOP_SPAN_RATIO = 0.4
NUM_TOKENS = 2048
NUM_SENTENCES = 128
SPAN_EMB_SIZE = 3 * HIDDEN + FEATURE_EMB_SIZE


def setup_inputs(seed: int = 0):
    key = jax.random.key(seed)
    ks = jax.random.split(key, 9)
    token_emb = jax.random.normal(ks[0], (NUM_TOKENS, HIDDEN), dtype=jnp.float32)
    sentence_map = jnp.sort(jax.random.randint(ks[1], (NUM_TOKENS,), 0, NUM_SENTENCES)).astype(jnp.int32)
    attn_w = 0.02 * jax.random.normal(ks[2], (HIDDEN,), dtype=jnp.float32)
    attn_b = jnp.zeros((), dtype=jnp.float32)
    width_emb = 0.02 * jax.random.normal(ks[3], (MAX_SPAN_WIDTH, FEATURE_EMB_SIZE), dtype=jnp.float32)
    W1 = 0.02 * jax.random.normal(ks[4], (SPAN_EMB_SIZE, FFNN_SIZE), dtype=jnp.float32)
    b1 = jnp.zeros((FFNN_SIZE,), dtype=jnp.float32)
    W2 = 0.02 * jax.random.normal(ks[5], (FFNN_SIZE, 1), dtype=jnp.float32)
    b2 = jnp.zeros((1,), dtype=jnp.float32)
    return {"token_emb": token_emb, "sentence_map": sentence_map, "attn_w": attn_w,
            "attn_b": attn_b, "width_emb": width_emb, "W1": W1, "b1": b1, "W2": W2, "b2": b2}


def _candidate_spans(sentence_map, num_tokens):
    starts = jnp.tile(jnp.arange(num_tokens, dtype=jnp.int32)[:, None], (1, MAX_SPAN_WIDTH))
    ends = starts + jnp.arange(MAX_SPAN_WIDTH, dtype=jnp.int32)[None, :]
    starts = starts.reshape(-1)
    ends = ends.reshape(-1)
    start_sent = jnp.take(sentence_map, starts, axis=0)
    end_sent = jnp.take(sentence_map, jnp.minimum(ends, num_tokens - 1), axis=0)
    valid = (ends < num_tokens) & (start_sent == end_sent)
    return starts, ends, valid


def _extract_top_non_crossing(order, starts, ends, valid, num_top, num_tokens):
    num_cands = order.shape[0]
    offsets = jnp.arange(MAX_SPAN_WIDTH, dtype=jnp.int32)

    def body(i, state):
        sel, count, s2e, e2s = state
        cid = order[i]
        s = starts[cid]
        e = ends[cid]
        ok = valid[cid] & (count < num_top)
        ts = s + offsets
        tmask = ts <= e
        tsc = jnp.minimum(ts, num_tokens - 1)
        me = s2e[tsc]
        ms = e2s[tsc]
        cross1 = jnp.any(tmask & (ts > s) & (me > e))
        cross2 = jnp.any(tmask & (ts < e) & (ms >= 0) & (ms < s))
        take = ok & jnp.logical_not(cross1 | cross2)
        sel = jnp.where(take, sel.at[count].set(cid), sel)
        new_me = jnp.maximum(s2e[s], e)
        s2e = jnp.where(take, s2e.at[s].set(new_me), s2e)
        old_ms = e2s[e]
        new_ms = jnp.where((old_ms == -1) | (s < old_ms), s, old_ms)
        e2s = jnp.where(take, e2s.at[e].set(new_ms), e2s)
        count = count + jnp.where(take, jnp.int32(1), jnp.int32(0))
        return sel, count, s2e, e2s

    sel0 = jnp.full((num_top,), -1, dtype=jnp.int32)
    s2e0 = jnp.full((num_tokens,), -1, dtype=jnp.int32)
    e2s0 = jnp.full((num_tokens,), -1, dtype=jnp.int32)
    sel, count, _, _ = jax.lax.fori_loop(0, num_cands, body, (sel0, jnp.int32(0), s2e0, e2s0))
    slot = jnp.arange(num_top, dtype=jnp.int32)
    filled = slot < count
    key = jnp.where(filled,
                    jnp.take(starts, sel, mode='clip') * jnp.int32(num_tokens + MAX_SPAN_WIDTH)
                    + jnp.take(ends, sel, mode='clip'),
                    jnp.int32(jnp.iinfo(jnp.int32).max))
    perm = jnp.argsort(key)
    sel_sorted = jnp.take(sel, perm)
    sel_sorted = jnp.where(jnp.take(filled, perm), sel_sorted, sel_sorted[0])
    return sel_sorted


def _mention_scores(token_emb, attn_w, attn_b, width_emb, W1, b1, W2, b2, cs, ce):
    start_emb = jnp.take(token_emb, cs, axis=0)
    end_emb = jnp.take(token_emb, ce, axis=0)
    w_emb = jnp.take(width_emb, ce - cs, axis=0)
    token_attn = token_emb @ attn_w + attn_b
    doc_range = jnp.arange(token_emb.shape[0])[None, :]
    span_mask = (doc_range >= cs[:, None]) & (doc_range <= ce[:, None])
    attn_logits = jnp.where(span_mask, token_attn[None, :], jnp.float32(-1e30))
    attn_probs = jax.nn.softmax(attn_logits, axis=1)
    attended = attn_probs @ token_emb
    span_emb = jnp.concatenate([start_emb, end_emb, w_emb, attended], axis=1)
    h = jax.nn.relu(span_emb @ W1 + b1)
    return (h @ W2 + b2)[:, 0]


def reference(token_emb, sentence_map, attn_w, attn_b, width_emb, W1, b1, W2, b2):
    num_tokens = token_emb.shape[0]
    cs, ce, valid = _candidate_spans(sentence_map, num_tokens)
    ce_safe = jnp.minimum(ce, num_tokens - 1)
    scores = _mention_scores(token_emb, attn_w, attn_b, width_emb, W1, b1, W2, b2, cs, ce_safe)
    num_top = int(TOP_SPAN_RATIO * num_tokens)
    sort_key = jnp.where(valid, scores, jnp.float32(-jnp.inf))
    order = jnp.argsort(-sort_key)
    sel_j = _extract_top_non_crossing(order, cs, ce, valid, num_top, num_tokens)
    return (jnp.take(cs, sel_j), jnp.take(ce, sel_j), jnp.take(scores, sel_j))

if __name__ == "__main__":
    import jax
    _d = setup_inputs()
    print(jax.jit(kernel)(*tuple(_d.values())))

</pallas_src>

<mosaic_0001>
#map = affine_map<(d0, d1) -> (0)>
module attributes {stable_mosaic.version = 14 : i64} {
  func.func @_stage1_body(%arg0: i32, %arg1: i32, %arg2: memref<1536xi32, #tpu.memory_space<hbm>>, %arg3: memref<832xi32, #tpu.memory_space<hbm>>, %arg4: memref<16xi32, #tpu.memory_space<hbm>>, %arg5: memref<2048xi32, #tpu.memory_space<hbm>>, %arg6: memref<2048xi32, #tpu.memory_space<hbm>>, %arg7: memref<1552xi32, #tpu.memory_space<vmem>>, %arg8: memref<832xi32, #tpu.memory_space<vmem>>, %arg9: memref<16xi32, #tpu.memory_space<vmem>>, %arg10: memref<2048xi32, #tpu.memory_space<vmem>>, %arg11: memref<2048xi32, #tpu.memory_space<vmem>>) attributes {dimension_semantics = [#tpu.dimension_semantics<core_parallel>, #tpu.dimension_semantics<subcore_parallel>], iteration_bounds = array<i64: 2, 16>, scalar_prefetch = 0 : i64, scratch_operands = 5 : i64, tpu.core_type = #tpu.core_type<sc_vector_subcore>, window_params = [{transform_indices = #map}, {transform_indices = #map}, {transform_indices = #map}, {transform_indices = #map}, {transform_indices = #map}]} {
    "tpu.region"() ({
      %run_scoped3A = tpu.sem_alloc : memref<!tpu.dma_semaphore, #tpu.memory_space<semaphore_mem>>
      %dma_start3A = arith.constant 0 : i32
      %dma_start3A_27 = tpu.memref_slice %arg7[%dma_start3A] : memref<1552xi32, #tpu.memory_space<vmem>> -> memref<1536xi32, #tpu.memory_space<vmem>>
      %dma_start3A_28 = arith.constant 0 : i32
      %dma_start3A_29 = tpu.memref_slice %arg7[%dma_start3A_28] : memref<1552xi32, #tpu.memory_space<vmem>> -> memref<1536xi32, #tpu.memory_space<vmem>>
      tpu.enqueue_dma source(%arg2 : memref<1536xi32, #tpu.memory_space<hbm>>) target(%dma_start3A_29 : memref<1536xi32, #tpu.memory_space<vmem>>) target_semaphore(%run_scoped3A : memref<!tpu.dma_semaphore, #tpu.memory_space<semaphore_mem>>)
      %dma_wait3A = arith.constant 0 : i32
      %dma_wait3A_30 = tpu.memref_slice %arg7[%dma_wait3A] : memref<1552xi32, #tpu.memory_space<vmem>> -> memref<1536xi32, #tpu.memory_space<vmem>>
      %dma_wait3A_31 = arith.constant 0 : i32
      %dma_wait3A_32 = tpu.memref_slice %arg7[%dma_wait3A_31] : memref<1552xi32, #tpu.memory_space<vmem>> -> memref<1536xi32, #tpu.memory_space<vmem>>
      tpu.wait_dma2 semaphore(%run_scoped3A : memref<!tpu.dma_semaphore, #tpu.memory_space<semaphore_mem>>) src(%arg2 : memref<1536xi32, #tpu.memory_space<hbm>>) dst(%dma_wait3A_32 : memref<1536xi32, #tpu.memory_space<vmem>>)
      tpu.yield
    }) : () -> ()
    %broadcast_in_dim3A = arith.constant -1 : i32
    %broadcast_in_dim3A_0 = vector.broadcast %broadcast_in_dim3A : i32 to vector<16xi32>
    %scan3A = arith.constant 0 : i32
    %scan3A_1 = arith.constant 0 : i32
    %scan3A_2 = arith.constant 128 : i32
    %scan3A_3 = arith.addi %scan3A_1, %scan3A_2 : i32
    %scan3A_4 = arith.constant 1 : i32
    scf.for %scan3A_27 = %scan3A_1 to %scan3A_3 step %scan3A_4  : i32 {
      %mul3A = arith.constant 16 : i32
      %mul3A_28 = arith.muli %scan3A_27, %mul3A : i32
      %swap3A_29 = arith.index_cast %mul3A_28 : i32 to index
      %swap3A_30 = tpu.vector_load %arg10[%swap3A_29] {strides = array<i32>} : memref<2048xi32, #tpu.memory_space<vmem>>, vector<16xi32>,
      tpu.vector_store %arg10[%swap3A_29], %broadcast_in_dim3A_0 {strides = array<i32>} : memref<2048xi32, #tpu.memory_space<vmem>>, vector<16xi32>,
      %mul3A_31 = arith.constant 16 : i32
      %mul3A_32 = arith.muli %scan3A_27, %mul3A_31 : i32
      %swap3A_33 = arith.index_cast %mul3A_32 : i32 to index
      %swap3A_34 = tpu.vector_load %arg11[%swap3A_33] {strides = array<i32>} : memref<2048xi32, #tpu.memory_space<vmem>>, vector<16xi32>,
      tpu.vector_store %arg11[%swap3A_33], %broadcast_in_dim3A_0 {strides = array<i32>} : memref<2048xi32, #tpu.memory_space<vmem>>, vector<16xi32>,
    }
    %scan3A_5 = arith.constant 128 : i32
    %scan3A_6 = arith.constant 0 : i32
    %scan3A_7 = arith.constant 0 : i32
    %scan3A_8 = arith.constant 52 : i32
    %scan3A_9 = arith.addi %scan3A_7, %scan3A_8 : i32
    %scan3A_10 = arith.constant 1 : i32
    scf.for %scan3A_27 = %scan3A_7 to %scan3A_9 step %scan3A_10  : i32 {
      %mul3A = arith.constant 16 : i32
      %mul3A_28 = arith.muli %scan3A_27, %mul3A : i32
      %swap3A_29 = arith.index_cast %mul3A_28 : i32 to index
      %swap3A_30 = tpu.vector_load %arg8[%swap3A_29] {strides = array<i32>} : memref<832xi32, #tpu.memory_space<vmem>>, vector<16xi32>,
      tpu.vector_store %arg8[%swap3A_29], %broadcast_in_dim3A_0 {strides = array<i32>} : memref<832xi32, #tpu.memory_space<vmem>>, vector<16xi32>,
    }
    %scan3A_11 = arith.constant 52 : i32
    %iota3A = tpu.iota {dimensions = array<i32: 0>} : vector<16xi32>
    %lt3A = arith.constant 1 : i32
    %lt3A_12 = vector.broadcast %lt3A : i32 to vector<16xi32>
    %lt3A_13 = arith.cmpi slt, %iota3A, %lt3A_12 : vector<16xi32>
    %scan3A_14 = arith.constant 0 : i32
    %scan3A_15 = arith.constant 0 : i32
    %scan3A_16 = arith.constant 1536 : i32
    %scan3A_17 = arith.addi %scan3A_15, %scan3A_16 : i32
    %scan3A_18 = arith.constant 4 : i32
    %scan3A_19 = scf.for %scan3A_27 = %scan3A_15 to %scan3A_17 step %scan3A_18 iter_args(%scan3A_28 = %scan3A_14) -> (i32)  : i32 {
      %get3A = arith.index_cast %scan3A_27 : i32 to index
      %get3A_29 = tpu.vector_load %arg7[%get3A] {strides = array<i32>} : memref<1552xi32, #tpu.memory_space<vmem>>, vector<16xi32>,
      %slice3A = vector.extract_strided_slice %get3A_29 {offsets = [0], sizes = [1], strides = [1]} : vector<16xi32> to vector<1xi32>
      %squeeze3A = vector.extract %slice3A[0] : i32 from vector<1xi32>
      %shift_right_arithmetic3A = arith.constant 12 : i32
      %shift_right_arithmetic3A_30 = arith.shrsi %squeeze3A, %shift_right_arithmetic3A : i32
      %and3A_31 = arith.constant 4095 : i32
      %and3A_32 = arith.andi %squeeze3A, %and3A_31 : i32
      %add3A = vector.broadcast %shift_right_arithmetic3A_30 : i32 to vector<16xi32>
      %add3A_33 = arith.addi %add3A, %iota3A : vector<16xi32>
      %le3A = vector.broadcast %and3A_32 : i32 to vector<16xi32>
      %le3A_34 = arith.cmpi sle, %add3A_33, %le3A : vector<16xi32>
      %min3A = arith.constant 2047 : i32
      %min3A_35 = vector.broadcast %min3A : i32 to vector<16xi32>
      %min3A_36 = arith.minsi %add3A_33, %min3A_35 : vector<16xi32>
      %gather3A = tpu.vector_load_idx %arg10[%min3A_36] : memref<2048xi32, #tpu.memory_space<vmem>>[vector<16xi32>], vector<16xi32>,
      %gather3A_37 = tpu.vector_load_idx %arg11[%min3A_36] : memref<2048xi32, #tpu.memory_space<vmem>>[vector<16xi32>], vector<16xi32>,
      %gt3A = vector.broadcast %shift_right_arithmetic3A_30 : i32 to vector<16xi32>
      %gt3A_38 = arith.cmpi sgt, %add3A_33, %gt3A : vector<16xi32>
      %and3A_39 = arith.andi %le3A_34, %gt3A_38 : vector<16xi1>
      %gt3A_40 = vector.broadcast %and3A_32 : i32 to vector<16xi32>
      %gt3A_41 = arith.cmpi sgt, %gather3A, %gt3A_40 : vector<16xi32>
      %and3A_42 = arith.andi %and3A_39, %gt3A_41 : vector<16xi1>
      %lt3A_43 = vector.broadcast %and3A_32 : i32 to vector<16xi32>
      %lt3A_44 = arith.cmpi slt, %add3A_33, %lt3A_43 : vector<16xi32>
      %and3A_45 = arith.andi %le3A_34, %lt3A_44 : vector<16xi1>
      %ge3A = arith.constant 0 : i32
      %ge3A_46 = vector.broadcast %ge3A : i32 to vector<16xi32>
      %ge3A_47 = arith.cmpi sge, %gather3A_37, %ge3A_46 : vector<16xi32>
      %and3A_48 = arith.andi %and3A_45, %ge3A_47 : vector<16xi1>
      %lt3A_49 = vector.broadcast %shift_right_arithmetic3A_30 : i32 to vector<16xi32>
      %lt3A_50 = arith.cmpi slt, %gather3A_37, %lt3A_49 : vector<16xi32>
      %and3A_51 = arith.andi %and3A_48, %lt3A_50 : vector<16xi1>
      %or3A = arith.ori %and3A_42, %and3A_51 : vector<16xi1>
      %all_reduce_population_count3A = tpu.all_reduce %or3A {dim = 0 : i64, kind = #tpu.reduction_kind<sum>} : vector<16xi1> -> vector<16xi32>
      %slice3A_52 = vector.extract_strided_slice %all_reduce_population_count3A {offsets = [0], sizes = [1], strides = [1]} : vector<16xi32> to vector<1xi32>
      %squeeze3A_53 = vector.extract %slice3A_52[0] : i32 from vector<1xi32>
      %lt3A_54 = arith.constant 819 : i32
      %lt3A_55 = arith.cmpi slt, %scan3A_28, %lt3A_54 : i32
      %eq3A_56 = arith.constant 0 : i32
      %eq3A_57 = arith.cmpi eq, %squeeze3A_53, %eq3A_56 : i32
      %and3A_58 = arith.andi %lt3A_55, %eq3A_57 : i1
      %and3A_59 = vector.broadcast %and3A_58 : i1 to vector<16xi1>
      %and3A_60 = arith.andi %lt3A_13, %and3A_59 : vector<16xi1>
      %broadcast_in_dim3A_61 = vector.broadcast %shift_right_arithmetic3A_30 : i32 to vector<16xi32>
      %min3A_62 = arith.constant 2047 : i32
      %min3A_63 = arith.minsi %and3A_32, %min3A_62 : i32
      %broadcast_in_dim3A_64 = vector.broadcast %min3A_63 : i32 to vector<16xi32>
      %broadcast_in_dim3A_65 = vector.broadcast %scan3A_28 : i32 to vector<16xi32>
      %mul3A = arith.constant 9 : i32
      %mul3A_66 = arith.muli %mul3A, %shift_right_arithmetic3A_30 : i32
      %add3A_67 = arith.addi %mul3A_66, %and3A_32 : i32
      %broadcast_in_dim3A_68 = vector.broadcast %add3A_67 : i32 to vector<16xi32>
      tpu.vector_store_idx %arg8[%broadcast_in_dim3A_65], %broadcast_in_dim3A_68 masked %and3A_60 : memref<832xi32, #tpu.memory_space<vmem>>[vector<16xi32>], vector<16xi32>, vector<16xi1>
      %slice3A_69 = vector.extract_strided_slice %gather3A {offsets = [0], sizes = [1], strides = [1]} : vector<16xi32> to vector<1xi32>
      %squeeze3A_70 = vector.extract %slice3A_69[0] : i32 from vector<1xi32>
      %max3A = arith.maxsi %squeeze3A_70, %and3A_32 : i32
      %broadcast_in_dim3A_71 = vector.broadcast %max3A : i32 to vector<16xi32>
      tpu.vector_store_idx %arg10[%broadcast_in_dim3A_61], %broadcast_in_dim3A_71 masked %and3A_60 : memref<2048xi32, #tpu.memory_space<vmem>>[vector<16xi32>], vector<16xi32>, vector<16xi1>
      %gather3A_72 = tpu.vector_load_idx %arg11[%broadcast_in_dim3A_64] : memref<2048xi32, #tpu.memory_space<vmem>>[vector<16xi32>], vector<16xi32>,
      %slice3A_73 = vector.extract_strided_slice %gather3A_72 {offsets = [0], sizes = [1], strides = [1]} : vector<16xi32> to vector<1xi32>
      %squeeze3A_74 = vector.extract %slice3A_73[0] : i32 from vector<1xi32>
      %eq3A_75 = arith.constant -1 : i32
      %eq3A_76 = arith.cmpi eq, %squeeze3A_74, %eq3A_75 : i32
      %lt3A_77 = arith.cmpi slt, %shift_right_arithmetic3A_30, %squeeze3A_74 : i32
      %or3A_78 = arith.ori %eq3A_76, %lt3A_77 : i1
      %select_n3A = arith.select %or3A_78, %shift_right_arithmetic3A_30, %squeeze3A_74 : i32
      %broadcast_in_dim3A_79 = vector.broadcast %select_n3A : i32 to vector<16xi32>
      tpu.vector_store_idx %arg11[%broadcast_in_dim3A_64], %broadcast_in_dim3A_79 masked %and3A_60 : memref<2048xi32, #tpu.memory_space<vmem>>[vector<16xi32>], vector<16xi32>, vector<16xi1>
      %jit3A = arith.constant 1 : i32
      %jit3A_80 = arith.constant 0 : i32
      %select_n3A_81 = arith.select %and3A_58, %jit3A, %jit3A_80 : i32
      %add3A_82 = arith.addi %scan3A_28, %select_n3A_81 : i32
      %scan3A_83 = arith.constant 1 : i32
      %scan3A_84 = arith.addi %scan3A_27, %scan3A_83 : i32
      %get3A_85 = arith.index_cast %scan3A_84 : i32 to index
      %get3A_86 = tpu.vector_load %arg7[%get3A_85] {strides = array<i32>} : memref<1552xi32, #tpu.memory_space<vmem>>, vector<16xi32>,
      %slice3A_87 = vector.extract_strided_slice %get3A_86 {offsets = [0], sizes = [1], strides = [1]} : vector<16xi32> to vector<1xi32>
      %squeeze3A_88 = vector.extract %slice3A_87[0] : i32 from vector<1xi32>
      %shift_right_arithmetic3A_89 = arith.constant 12 : i32
      %shift_right_arithmetic3A_90 = arith.shrsi %squeeze3A_88, %shift_right_arithmetic3A_89 : i32
      %and3A_91 = arith.constant 4095 : i32
      %and3A_92 = arith.andi %squeeze3A_88, %and3A_91 : i32
      %add3A_93 = vector.broadcast %shift_right_arithmetic3A_90 : i32 to vector<16xi32>
      %add3A_94 = arith.addi %add3A_93, %iota3A : vector<16xi32>
      %le3A_95 = vector.broadcast %and3A_92 : i32 to vector<16xi32>
      %le3A_96 = arith.cmpi sle, %add3A_94, %le3A_95 : vector<16xi32>
      %min3A_97 = arith.constant 2047 : i32
      %min3A_98 = vector.broadcast %min3A_97 : i32 to vector<16xi32>
      %min3A_99 = arith.minsi %add3A_94, %min3A_98 : vector<16xi32>
      %gather3A_100 = tpu.vector_load_idx %arg10[%min3A_99] : memref<2048xi32, #tpu.memory_space<vmem>>[vector<16xi32>], vector<16xi32>,
      %gather3A_101 = tpu.vector_load_idx %arg11[%min3A_99] : memref<2048xi32, #tpu.memory_space<vmem>>[vector<16xi32>], vector<16xi32>,
      %gt3A_102 = vector.broadcast %shift_right_arithmetic3A_90 : i32 to vector<16xi32>
      %gt3A_103 = arith.cmpi sgt, %add3A_94, %gt3A_102 : vector<16xi32>
      %and3A_104 = arith.andi %le3A_96, %gt3A_103 : vector<16xi1>
      %gt3A_105 = vector.broadcast %and3A_92 : i32 to vector<16xi32>
      %gt3A_106 = arith.cmpi sgt, %gather3A_100, %gt3A_105 : vector<16xi32>
      %and3A_107 = arith.andi %and3A_104, %gt3A_106 : vector<16xi1>
      %lt3A_108 = vector.broadcast %and3A_92 : i32 to vector<16xi32>
      %lt3A_109 = arith.cmpi slt, %add3A_94, %lt3A_108 : vector<16xi32>
      %and3A_110 = arith.andi %le3A_96, %lt3A_109 : vector<16xi1>
      %ge3A_111 = arith.constant 0 : i32
      %ge3A_112 = vector.broadcast %ge3A_111 : i32 to vector<16xi32>
      %ge3A_113 = arith.cmpi sge, %gather3A_101, %ge3A_112 : vector<16xi32>
      %and3A_114 = arith.andi %and3A_110, %ge3A_113 : vector<16xi1>
      %lt3A_115 = vector.broadcast %shift_right_arithmetic3A_90 : i32 to vector<16xi32>
      %lt3A_116 = arith.cmpi slt, %gather3A_101, %lt3A_115 : vector<16xi32>
      %and3A_117 = arith.andi %and3A_114, %lt3A_116 : vector<16xi1>
      %or3A_118 = arith.ori %and3A_107, %and3A_117 : vector<16xi1>
      %all_reduce_population_count3A_119 = tpu.all_reduce %or3A_118 {dim = 0 : i64, kind = #tpu.reduction_kind<sum>} : vector<16xi1> -> vector<16xi32>
      %slice3A_120 = vector.extract_strided_slice %all_reduce_population_count3A_119 {offsets = [0], sizes = [1], strides = [1]} : vector<16xi32> to vector<1xi32>
      %squeeze3A_121 = vector.extract %slice3A_120[0] : i32 from vector<1xi32>
      %lt3A_122 = arith.constant 819 : i32
      %lt3A_123 = arith.cmpi slt, %add3A_82, %lt3A_122 : i32
      %eq3A_124 = arith.constant 0 : i32
      %eq3A_125 = arith.cmpi eq, %squeeze3A_121, %eq3A_124 : i32
      %and3A_126 = arith.andi %lt3A_123, %eq3A_125 : i1
      %and3A_127 = vector.broadcast %and3A_126 : i1 to vector<16xi1>
      %and3A_128 = arith.andi %lt3A_13, %and3A_127 : vector<16xi1>
      %broadcast_in_dim3A_129 = vector.broadcast %shift_right_arithmetic3A_90 : i32 to vector<16xi32>
      %min3A_130 = arith.constant 2047 : i32
      %min3A_131 = arith.minsi %and3A_92, %min3A_130 : i32
      %broadcast_in_dim3A_132 = vector.broadcast %min3A_131 : i32 to vector<16xi32>
      %broadcast_in_dim3A_133 = vector.broadcast %add3A_82 : i32 to vector<16xi32>
      %mul3A_134 = arith.constant 9 : i32
      %mul3A_135 = arith.muli %mul3A_134, %shift_right_arithmetic3A_90 : i32
      %add3A_136 = arith.addi %mul3A_135, %and3A_92 : i32
      %broadcast_in_dim3A_137 = vector.broadcast %add3A_136 : i32 to vector<16xi32>
      tpu.vector_store_idx %arg8[%broadcast_in_dim3A_133], %broadcast_in_dim3A_137 masked %and3A_128 : memref<832xi32, #tpu.memory_space<vmem>>[vector<16xi32>], vector<16xi32>, vector<16xi1>
      %slice3A_138 = vector.extract_strided_slice %gather3A_100 {offsets = [0], sizes = [1], strides = [1]} : vector<16xi32> to vector<1xi32>
      %squeeze3A_139 = vector.extract %slice3A_138[0] : i32 from vector<1xi32>
      %max3A_140 = arith.maxsi %squeeze3A_139, %and3A_92 : i32
      %broadcast_in_dim3A_141 = vector.broadcast %max3A_140 : i32 to vector<16xi32>
      tpu.vector_store_idx %arg10[%broadcast_in_dim3A_129], %broadcast_in_dim3A_141 masked %and3A_128 : memref<2048xi32, #tpu.memory_space<vmem>>[vector<16xi32>], vector<16xi32>, vector<16xi1>
      %gather3A_142 = tpu.vector_load_idx %arg11[%broadcast_in_dim3A_132] : memref<2048xi32, #tpu.memory_space<vmem>>[vector<16xi32>], vector<16xi32>,
      %slice3A_143 = vector.extract_strided_slice %gather3A_142 {offsets = [0], sizes = [1], strides = [1]} : vector<16xi32> to vector<1xi32>
      %squeeze3A_144 = vector.extract %slice3A_143[0] : i32 from vector<1xi32>
      %eq3A_145 = arith.constant -1 : i32
      %eq3A_146 = arith.cmpi eq, %squeeze3A_144, %eq3A_145 : i32
      %lt3A_147 = arith.cmpi slt, %shift_right_arithmetic3A_90, %squeeze3A_144 : i32
      %or3A_148 = arith.ori %eq3A_146, %lt3A_147 : i1
      %select_n3A_149 = arith.select %or3A_148, %shift_right_arithmetic3A_90, %squeeze3A_144 : i32
      %broadcast_in_dim3A_150 = vector.broadcast %select_n3A_149 : i32 to vector<16xi32>
      tpu.vector_store_idx %arg11[%broadcast_in_dim3A_132], %broadcast_in_dim3A_150 masked %and3A_128 : memref<2048xi32, #tpu.memory_space<vmem>>[vector<16xi32>], vector<16xi32>, vector<16xi1>
      %jit3A_151 = arith.constant 1 : i32
      %jit3A_152 = arith.constant 0 : i32
      %select_n3A_153 = arith.select %and3A_126, %jit3A_151, %jit3A_152 : i32
      %add3A_154 = arith.addi %add3A_82, %select_n3A_153 : i32
      %scan3A_155 = arith.constant 2 : i32
      %scan3A_156 = arith.addi %scan3A_27, %scan3A_155 : i32
      %get3A_157 = arith.index_cast %scan3A_156 : i32 to index
      %get3A_158 = tpu.vector_load %arg7[%get3A_157] {strides = array<i32>} : memref<1552xi32, #tpu.memory_space<vmem>>, vector<16xi32>,
      %slice3A_159 = vector.extract_strided_slice %get3A_158 {offsets = [0], sizes = [1], strides = [1]} : vector<16xi32> to vector<1xi32>
      %squeeze3A_160 = vector.extract %slice3A_159[0] : i32 from vector<1xi32>
      %shift_right_arithmetic3A_161 = arith.constant 12 : i32
      %shift_right_arithmetic3A_162 = arith.shrsi %squeeze3A_160, %shift_right_arithmetic3A_161 : i32
      %and3A_163 = arith.constant 4095 : i32
      %and3A_164 = arith.andi %squeeze3A_160, %and3A_163 : i32
      %add3A_165 = vector.broadcast %shift_right_arithmetic3A_162 : i32 to vector<16xi32>
      %add3A_166 = arith.addi %add3A_165, %iota3A : vector<16xi32>
      %le3A_167 = vector.broadcast %and3A_164 : i32 to vector<16xi32>
      %le3A_168 = arith.cmpi sle, %add3A_166, %le3A_167 : vector<16xi32>
      %min3A_169 = arith.constant 2047 : i32
      %min3A_170 = vector.broadcast %min3A_169 : i32 to vector<16xi32>
      %min3A_171 = arith.minsi %add3A_166, %min3A_170 : vector<16xi32>
      %gather3A_172 = tpu.vector_load_idx %arg10[%min3A_171] : memref<2048xi32, #tpu.memory_space<vmem>>[vector<16xi32>], vector<16xi32>,
      %gather3A_173 = tpu.vector_load_idx %arg11[%min3A_171] : memref<2048xi32, #tpu.memory_space<vmem>>[vector<16xi32>], vector<16xi32>,
      %gt3A_174 = vector.broadcast %shift_right_arithmetic3A_162 : i32 to vector<16xi32>
      %gt3A_175 = arith.cmpi sgt, %add3A_166, %gt3A_174 : vector<16xi32>
      %and3A_176 = arith.andi %le3A_168, %gt3A_175 : vector<16xi1>
      %gt3A_177 = vector.broadcast %and3A_164 : i32 to vector<16xi32>
      %gt3A_178 = arith.cmpi sgt, %gather3A_172, %gt3A_177 : vector<16xi32>
      %and3A_179 = arith.andi %and3A_176, %gt3A_178 : vector<16xi1>
      %lt3A_180 = vector.broadcast %and3A_164 : i32 to vector<16xi32>
      %lt3A_181 = arith.cmpi slt, %add3A_166, %lt3A_180 : vector<16xi32>
      %and3A_182 = arith.andi %le3A_168, %lt3A_181 : vector<16xi1>
      %ge3A_183 = arith.constant 0 : i32
      %ge3A_184 = vector.broadcast %ge3A_183 : i32 to vector<16xi32>
      %ge3A_185 = arith.cmpi sge, %gather3A_173, %ge3A_184 : vector<16xi32>
      %and3A_186 = arith.andi %and3A_182, %ge3A_185 : vector<16xi1>
      %lt3A_187 = vector.broadcast %shift_right_arithmetic3A_162 : i32 to vector<16xi32>
      %lt3A_188 = arith.cmpi slt, %gather3A_173, %lt3A_187 : vector<16xi32>
      %and3A_189 = arith.andi %and3A_186, %lt3A_188 : vector<16xi1>
      %or3A_190 = arith.ori %and3A_179, %and3A_189 : vector<16xi1>
      %all_reduce_population_count3A_191 = tpu.all_reduce %or3A_190 {dim = 0 : i64, kind = #tpu.reduction_kind<sum>} : vector<16xi1> -> vector<16xi32>
      %slice3A_192 = vector.extract_strided_slice %all_reduce_population_count3A_191 {offsets = [0], sizes = [1], strides = [1]} : vector<16xi32> to vector<1xi32>
      %squeeze3A_193 = vector.extract %slice3A_192[0] : i32 from vector<1xi32>
      %lt3A_194 = arith.constant 819 : i32
      %lt3A_195 = arith.cmpi slt, %add3A_154, %lt3A_194 : i32
      %eq3A_196 = arith.constant 0 : i32
      %eq3A_197 = arith.cmpi eq, %squeeze3A_193, %eq3A_196 : i32
      %and3A_198 = arith.andi %lt3A_195, %eq3A_197 : i1
      %and3A_199 = vector.broadcast %and3A_198 : i1 to vector<16xi1>
      %and3A_200 = arith.andi %lt3A_13, %and3A_199 : vector<16xi1>
      %broadcast_in_dim3A_201 = vector.broadcast %shift_right_arithmetic3A_162 : i32 to vector<16xi32>
      %min3A_202 = arith.constant 2047 : i32
      %min3A_203 = arith.minsi %and3A_164, %min3A_202 : i32
      %broadcast_in_dim3A_204 = vector.broadcast %min3A_203 : i32 to vector<16xi32>
      %broadcast_in_dim3A_205 = vector.broadcast %add3A_154 : i32 to vector<16xi32>
      %mul3A_206 = arith.constant 9 : i32
      %mul3A_207 = arith.muli %mul3A_206, %shift_right_arithmetic3A_162 : i32
      %add3A_208 = arith.addi %mul3A_207, %and3A_164 : i32
      %broadcast_in_dim3A_209 = vector.broadcast %add3A_208 : i32 to vector<16xi32>
      tpu.vector_store_idx %arg8[%broadcast_in_dim3A_205], %broadcast_in_dim3A_209 masked %and3A_200 : memref<832xi32, #tpu.memory_space<vmem>>[vector<16xi32>], vector<16xi32>, vector<16xi1>
      %slice3A_210 = vector.extract_strided_slice %gather3A_172 {offsets = [0], sizes = [1], strides = [1]} : vector<16xi32> to vector<1xi32>
      %squeeze3A_211 = vector.extract %slice3A_210[0] : i32 from vector<1xi32>
      %max3A_212 = arith.maxsi %squeeze3A_211, %and3A_164 : i32
      %broadcast_in_dim3A_213 = vector.broadcast %max3A_212 : i32 to vector<16xi32>
      tpu.vector_store_idx %arg10[%broadcast_in_dim3A_201], %broadcast_in_dim3A_213 masked %and3A_200 : memref<2048xi32, #tpu.memory_space<vmem>>[vector<16xi32>], vector<16xi32>, vector<16xi1>
      %gather3A_214 = tpu.vector_load_idx %arg11[%broadcast_in_dim3A_204] : memref<2048xi32, #tpu.memory_space<vmem>>[vector<16xi32>], vector<16xi32>,
      %slice3A_215 = vector.extract_strided_slice %gather3A_214 {offsets = [0], sizes = [1], strides = [1]} : vector<16xi32> to vector<1xi32>
      %squeeze3A_216 = vector.extract %slice3A_215[0] : i32 from vector<1xi32>
      %eq3A_217 = arith.constant -1 : i32
      %eq3A_218 = arith.cmpi eq, %squeeze3A_216, %eq3A_217 : i32
      %lt3A_219 = arith.cmpi slt, %shift_right_arithmetic3A_162, %squeeze3A_216 : i32
      %or3A_220 = arith.ori %eq3A_218, %lt3A_219 : i1
      %select_n3A_221 = arith.select %or3A_220, %shift_right_arithmetic3A_162, %squeeze3A_216 : i32
      %broadcast_in_dim3A_222 = vector.broadcast %select_n3A_221 : i32 to vector<16xi32>
      tpu.vector_store_idx %arg11[%broadcast_in_dim3A_204], %broadcast_in_dim3A_222 masked %and3A_200 : memref<2048xi32, #tpu.memory_space<vmem>>[vector<16xi32>], vector<16xi32>, vector<16xi1>
      %jit3A_223 = arith.constant 1 : i32
      %jit3A_224 = arith.constant 0 : i32
      %select_n3A_225 = arith.select %and3A_198, %jit3A_223, %jit3A_224 : i32
      %add3A_226 = arith.addi %add3A_154, %select_n3A_225 : i32
      %scan3A_227 = arith.constant 3 : i32
      %scan3A_228 = arith.addi %scan3A_27, %scan3A_227 : i32
      %get3A_229 = arith.index_cast %scan3A_228 : i32 to index
      %get3A_230 = tpu.vector_load %arg7[%get3A_229] {strides = array<i32>} : memref<1552xi32, #tpu.memory_space<vmem>>, vector<16xi32>,
      %slice3A_231 = vector.extract_strided_slice %get3A_230 {offsets = [0], sizes = [1], strides = [1]} : vector<16xi32> to vector<1xi32>
      %squeeze3A_232 = vector.extract %slice3A_231[0] : i32 from vector<1xi32>
      %shift_right_arithmetic3A_233 = arith.constant 12 : i32
      %shift_right_arithmetic3A_234 = arith.shrsi %squeeze3A_232, %shift_right_arithmetic3A_233 : i32
      %and3A_235 = arith.constant 4095 : i32
      %and3A_236 = arith.andi %squeeze3A_232, %and3A_235 : i32
      %add3A_237 = vector.broadcast %shift_right_arithmetic3A_234 : i32 to vector<16xi32>
      %add3A_238 = arith.addi %add3A_237, %iota3A : vector<16xi32>
      %le3A_239 = vector.broadcast %and3A_236 : i32 to vector<16xi32>
      %le3A_240 = arith.cmpi sle, %add3A_238, %le3A_239 : vector<16xi32>
      %min3A_241 = arith.constant 2047 : i32
      %min3A_242 = vector.broadcast %min3A_241 : i32 to vector<16xi32>
      %min3A_243 = arith.minsi %add3A_238, %min3A_242 : vector<16xi32>
      %gather3A_244 = tpu.vector_load_idx %arg10[%min3A_243] : memref<2048xi32, #tpu.memory_space<vmem>>[vector<16xi32>], vector<16xi32>,
      %gather3A_245 = tpu.vector_load_idx %arg11[%min3A_243] : memref<2048xi32, #tpu.memory_space<vmem>>[vector<16xi32>], vector<16xi32>,
      %gt3A_246 = vector.broadcast %shift_right_arithmetic3A_234 : i32 to vector<16xi32>
      %gt3A_247 = arith.cmpi sgt, %add3A_238, %gt3A_246 : vector<16xi32>
      %and3A_248 = arith.andi %le3A_240, %gt3A_247 : vector<16xi1>
      %gt3A_249 = vector.broadcast %and3A_236 : i32 to vector<16xi32>
      %gt3A_250 = arith.cmpi sgt, %gather3A_244, %gt3A_249 : vector<16xi32>
      %and3A_251 = arith.andi %and3A_248, %gt3A_250 : vector<16xi1>
      %lt3A_252 = vector.broadcast %and3A_236 : i32 to vector<16xi32>
      %lt3A_253 = arith.cmpi slt, %add3A_238, %lt3A_252 : vector<16xi32>
      %and3A_254 = arith.andi %le3A_240, %lt3A_253 : vector<16xi1>
      %ge3A_255 = arith.constant 0 : i32
      %ge3A_256 = vector.broadcast %ge3A_255 : i32 to vector<16xi32>
      %ge3A_257 = arith.cmpi sge, %gather3A_245, %ge3A_256 : vector<16xi32>
      %and3A_258 = arith.andi %and3A_254, %ge3A_257 : vector<16xi1>
      %lt3A_259 = vector.broadcast %shift_right_arithmetic3A_234 : i32 to vector<16xi32>
      %lt3A_260 = arith.cmpi slt, %gather3A_245, %lt3A_259 : vector<16xi32>
      %and3A_261 = arith.andi %and3A_258, %lt3A_260 : vector<16xi1>
      %or3A_262 = arith.ori %and3A_251, %and3A_261 : vector<16xi1>
      %all_reduce_population_count3A_263 = tpu.all_reduce %or3A_262 {dim = 0 : i64, kind = #tpu.reduction_kind<sum>} : vector<16xi1> -> vector<16xi32>
      %slice3A_264 = vector.extract_strided_slice %all_reduce_population_count3A_263 {offsets = [0], sizes = [1], strides = [1]} : vector<16xi32> to vector<1xi32>
      %squeeze3A_265 = vector.extract %slice3A_264[0] : i32 from vector<1xi32>
      %lt3A_266 = arith.constant 819 : i32
      %lt3A_267 = arith.cmpi slt, %add3A_226, %lt3A_266 : i32
      %eq3A_268 = arith.constant 0 : i32
      %eq3A_269 = arith.cmpi eq, %squeeze3A_265, %eq3A_268 : i32
      %and3A_270 = arith.andi %lt3A_267, %eq3A_269 : i1
      %and3A_271 = vector.broadcast %and3A_270 : i1 to vector<16xi1>
      %and3A_272 = arith.andi %lt3A_13, %and3A_271 : vector<16xi1>
      %broadcast_in_dim3A_273 = vector.broadcast %shift_right_arithmetic3A_234 : i32 to vector<16xi32>
      %min3A_274 = arith.constant 2047 : i32
      %min3A_275 = arith.minsi %and3A_236, %min3A_274 : i32
      %broadcast_in_dim3A_276 = vector.broadcast %min3A_275 : i32 to vector<16xi32>
      %broadcast_in_dim3A_277 = vector.broadcast %add3A_226 : i32 to vector<16xi32>
      %mul3A_278 = arith.constant 9 : i32
      %mul3A_279 = arith.muli %mul3A_278, %shift_right_arithmetic3A_234 : i32
      %add3A_280 = arith.addi %mul3A_279, %and3A_236 : i32
      %broadcast_in_dim3A_281 = vector.broadcast %add3A_280 : i32 to vector<16xi32>
      tpu.vector_store_idx %arg8[%broadcast_in_dim3A_277], %broadcast_in_dim3A_281 masked %and3A_272 : memref<832xi32, #tpu.memory_space<vmem>>[vector<16xi32>], vector<16xi32>, vector<16xi1>
      %slice3A_282 = vector.extract_strided_slice %gather3A_244 {offsets = [0], sizes = [1], strides = [1]} : vector<16xi32> to vector<1xi32>
      %squeeze3A_283 = vector.extract %slice3A_282[0] : i32 from vector<1xi32>
      %max3A_284 = arith.maxsi %squeeze3A_283, %and3A_236 : i32
      %broadcast_in_dim3A_285 = vector.broadcast %max3A_284 : i32 to vector<16xi32>
      tpu.vector_store_idx %arg10[%broadcast_in_dim3A_273], %broadcast_in_dim3A_285 masked %and3A_272 : memref<2048xi32, #tpu.memory_space<vmem>>[vector<16xi32>], vector<16xi32>, vector<16xi1>
      %gather3A_286 = tpu.vector_load_idx %arg11[%broadcast_in_dim3A_276] : memref<2048xi32, #tpu.memory_space<vmem>>[vector<16xi32>], vector<16xi32>,
      %slice3A_287 = vector.extract_strided_slice %gather3A_286 {offsets = [0], sizes = [1], strides = [1]} : vector<16xi32> to vector<1xi32>
      %squeeze3A_288 = vector.extract %slice3A_287[0] : i32 from vector<1xi32>
      %eq3A_289 = arith.constant -1 : i32
      %eq3A_290 = arith.cmpi eq, %squeeze3A_288, %eq3A_289 : i32
      %lt3A_291 = arith.cmpi slt, %shift_right_arithmetic3A_234, %squeeze3A_288 : i32
      %or3A_292 = arith.ori %eq3A_290, %lt3A_291 : i1
      %select_n3A_293 = arith.select %or3A_292, %shift_right_arithmetic3A_234, %squeeze3A_288 : i32
      %broadcast_in_dim3A_294 = vector.broadcast %select_n3A_293 : i32 to vector<16xi32>
      tpu.vector_store_idx %arg11[%broadcast_in_dim3A_276], %broadcast_in_dim3A_294 masked %and3A_272 : memref<2048xi32, #tpu.memory_space<vmem>>[vector<16xi32>], vector<16xi32>, vector<16xi1>
      %jit3A_295 = arith.constant 1 : i32
      %jit3A_296 = arith.constant 0 : i32
      %select_n3A_297 = arith.select %and3A_270, %jit3A_295, %jit3A_296 : i32
      %add3A_298 = arith.addi %add3A_226, %select_n3A_297 : i32
      scf.yield %add3A_298 : i32
    }
    %scan3A_20 = arith.constant 1536 : i32
    %broadcast_in_dim3A_21 = vector.broadcast %scan3A_19 : i32 to vector<16xi32>
    %swap3A = arith.constant 0 : index
    %swap3A_22 = tpu.vector_load %arg9[%swap3A] {strides = array<i32>} : memref<16xi32, #tpu.memory_space<vmem>>, vector<16xi32>,
    tpu.vector_store %arg9[%swap3A], %broadcast_in_dim3A_21 {strides = array<i32>} : memref<16xi32, #tpu.memory_space<vmem>>, vector<16xi32>,
    %eq3A = arith.constant 0 : i32
    %eq3A_23 = arith.cmpi eq, %arg0, %eq3A : i32
    %eq3A_24 = arith.constant 0 : i32
    %eq3A_25 = arith.cmpi eq, %arg1, %eq3A_24 : i32
    %and3A = arith.andi %eq3A_23, %eq3A_25 : i1
    %convert_element_type3A = arith.extui %and3A : i1 to i32
    %cond3A = arith.constant 0 : i32
    %cond3A_26 = arith.cmpi ne, %convert_element_type3A, %cond3A : i32
    scf.if %cond3A_26 {
      "tpu.region"() ({
        %run_scoped3A = tpu.sem_alloc : memref<!tpu.dma_semaphore, #tpu.memory_space<semaphore_mem>>
        tpu.enqueue_dma source(%arg8 : memref<832xi32, #tpu.memory_space<vmem>>) target(%arg3 : memref<832xi32, #tpu.memory_space<hbm>>) target_semaphore(%run_scoped3A : memref<!tpu.dma_semaphore, #tpu.memory_space<semaphore_mem>>)
        tpu.wait_dma2 semaphore(%run_scoped3A : memref<!tpu.dma_semaphore, #tpu.memory_space<semaphore_mem>>) src(%arg8 : memref<832xi32, #tpu.memory_space<vmem>>) dst(%arg3 : memref<832xi32, #tpu.memory_space<hbm>>)
        tpu.yield
      }) : () -> ()
      "tpu.region"() ({
        %run_scoped3A = tpu.sem_alloc : memref<!tpu.dma_semaphore, #tpu.memory_space<semaphore_mem>>
        tpu.enqueue_dma source(%arg9 : memref<16xi32, #tpu.memory_space<vmem>>) target(%arg4 : memref<16xi32, #tpu.memory_space<hbm>>) target_semaphore(%run_scoped3A : memref<!tpu.dma_semaphore, #tpu.memory_space<semaphore_mem>>)
        tpu.wait_dma2 semaphore(%run_scoped3A : memref<!tpu.dma_semaphore, #tpu.memory_space<semaphore_mem>>) src(%arg9 : memref<16xi32, #tpu.memory_space<vmem>>) dst(%arg4 : memref<16xi32, #tpu.memory_space<hbm>>)
        tpu.yield
      }) : () -> ()
      "tpu.region"() ({
        %run_scoped3A = tpu.sem_alloc : memref<!tpu.dma_semaphore, #tpu.memory_space<semaphore_mem>>
        tpu.enqueue_dma source(%arg10 : memref<2048xi32, #tpu.memory_space<vmem>>) target(%arg5 : memref<2048xi32, #tpu.memory_space<hbm>>) target_semaphore(%run_scoped3A : memref<!tpu.dma_semaphore, #tpu.memory_space<semaphore_mem>>)
        tpu.wait_dma2 semaphore(%run_scoped3A : memref<!tpu.dma_semaphore, #tpu.memory_space<semaphore_mem>>) src(%arg10 : memref<2048xi32, #tpu.memory_space<vmem>>) dst(%arg5 : memref<2048xi32, #tpu.memory_space<hbm>>)
        tpu.yield
      }) : () -> ()
      "tpu.region"() ({
        %run_scoped3A = tpu.sem_alloc : memref<!tpu.dma_semaphore, #tpu.memory_space<semaphore_mem>>
        tpu.enqueue_dma source(%arg11 : memref<2048xi32, #tpu.memory_space<vmem>>) target(%arg6 : memref<2048xi32, #tpu.memory_space<hbm>>) target_semaphore(%run_scoped3A : memref<!tpu.dma_semaphore, #tpu.memory_space<semaphore_mem>>)
        tpu.wait_dma2 semaphore(%run_scoped3A : memref<!tpu.dma_semaphore, #tpu.memory_space<semaphore_mem>>) src(%arg11 : memref<2048xi32, #tpu.memory_space<vmem>>) dst(%arg6 : memref<2048xi32, #tpu.memory_space<hbm>>)
        tpu.yield
      }) : () -> ()
    } else {
    }
    return
  }
}

#map = affine_map<(d0, d1) -> (0)>
module attributes {stable_mosaic.version = 14 : i64} {
  func.func @_stage2_body(%arg0: i32, %arg1: i32, %arg2: memref<20480xi32, #tpu.memory_space<hbm>>, %arg3: memref<16xi32, #tpu.memory_space<hbm>>, %arg4: memref<832xi32, #tpu.memory_space<hbm>>, %arg5: memref<16xi32, #tpu.memory_space<hbm>>, %arg6: memref<2048xi32, #tpu.memory_space<hbm>>, %arg7: memref<2048xi32, #tpu.memory_space<hbm>>, %arg8: memref<832xi32, #tpu.memory_space<hbm>>, %arg9: memref<16xi32, #tpu.memory_space<hbm>>, %arg10: memref<20496xi32, #tpu.memory_space<vmem>>, %arg11: memref<16xi32, #tpu.memory_space<vmem>>, %arg12: memref<832xi32, #tpu.memory_space<vmem>>, %arg13: memref<16xi32, #tpu.memory_space<vmem>>, %arg14: memref<2048xi32, #tpu.memory_space<vmem>>, %arg15: memref<2048xi32, #tpu.memory_space<vmem>>) attributes {dimension_semantics = [#tpu.dimension_semantics<core_parallel>, #tpu.dimension_semantics<subcore_parallel>], iteration_bounds = array<i64: 2, 16>, scalar_prefetch = 0 : i64, scratch_operands = 6 : i64, tpu.core_type = #tpu.core_type<sc_vector_subcore>, window_params = [{transform_indices = #map}, {transform_indices = #map}, {transform_indices = #map}, {transform_indices = #map}, {transform_indices = #map}, {transform_indices = #map}, {transform_indices = #map}, {transform_indices = #map}]} {
    "tpu.region"() ({
      %run_scoped3A = tpu.sem_alloc : memref<!tpu.dma_semaphore, #tpu.memory_space<semaphore_mem>>
      %dma_start3A = arith.constant 0 : i32
      %dma_start3A_17 = tpu.memref_slice %arg10[%dma_start3A] : memref<20496xi32, #tpu.memory_space<vmem>> -> memref<20480xi32, #tpu.memory_space<vmem>>
      %dma_start3A_18 = arith.constant 0 : i32
      %dma_start3A_19 = tpu.memref_slice %arg10[%dma_start3A_18] : memref<20496xi32, #tpu.memory_space<vmem>> -> memref<20480xi32, #tpu.memory_space<vmem>>
      tpu.enqueue_dma source(%arg2 : memref<20480xi32, #tpu.memory_space<hbm>>) target(%dma_start3A_19 : memref<20480xi32, #tpu.memory_space<vmem>>) target_semaphore(%run_scoped3A : memref<!tpu.dma_semaphore, #tpu.memory_space<semaphore_mem>>)
      %dma_wait3A = arith.constant 0 : i32
      %dma_wait3A_20 = tpu.memref_slice %arg10[%dma_wait3A] : memref<20496xi32, #tpu.memory_space<vmem>> -> memref<20480xi32, #tpu.memory_space<vmem>>
      %dma_wait3A_21 = arith.constant 0 : i32
      %dma_wait3A_22 = tpu.memref_slice %arg10[%dma_wait3A_21] : memref<20496xi32, #tpu.memory_space<vmem>> -> memref<20480xi32, #tpu.memory_space<vmem>>
      tpu.wait_dma2 semaphore(%run_scoped3A : memref<!tpu.dma_semaphore, #tpu.memory_space<semaphore_mem>>) src(%arg2 : memref<20480xi32, #tpu.memory_space<hbm>>) dst(%dma_wait3A_22 : memref<20480xi32, #tpu.memory_space<vmem>>)
      tpu.yield
    }) : () -> ()
    "tpu.region"() ({
      %run_scoped3A = tpu.sem_alloc : memref<!tpu.dma_semaphore, #tpu.memory_space<semaphore_mem>>
      tpu.enqueue_dma source(%arg3 : memref<16xi32, #tpu.memory_space<hbm>>) target(%arg11 : memref<16xi32, #tpu.memory_space<vmem>>) target_semaphore(%run_scoped3A : memref<!tpu.dma_semaphore, #tpu.memory_space<semaphore_mem>>)
      tpu.wait_dma2 semaphore(%run_scoped3A : memref<!tpu.dma_semaphore, #tpu.memory_space<semaphore_mem>>) src(%arg3 : memref<16xi32, #tpu.memory_space<hbm>>) dst(%arg11 : memref<16xi32, #tpu.memory_space<vmem>>)
      tpu.yield
    }) : () -> ()
    "tpu.region"() ({
      %run_scoped3A = tpu.sem_alloc : memref<!tpu.dma_semaphore, #tpu.memory_space<semaphore_mem>>
      tpu.enqueue_dma source(%arg4 : memref<832xi32, #tpu.memory_space<hbm>>) target(%arg12 : memref<832xi32, #tpu.memory_space<vmem>>) target_semaphore(%run_scoped3A : memref<!tpu.dma_semaphore, #tpu.memory_space<semaphore_mem>>)
      tpu.wait_dma2 semaphore(%run_scoped3A : memref<!tpu.dma_semaphore, #tpu.memory_space<semaphore_mem>>) src(%arg4 : memref<832xi32, #tpu.memory_space<hbm>>) dst(%arg12 : memref<832xi32, #tpu.memory_space<vmem>>)
      tpu.yield
    }) : () -> ()
    "tpu.region"() ({
      %run_scoped3A = tpu.sem_alloc : memref<!tpu.dma_semaphore, #tpu.memory_space<semaphore_mem>>
      tpu.enqueue_dma source(%arg5 : memref<16xi32, #tpu.memory_space<hbm>>) target(%arg13 : memref<16xi32, #tpu.memory_space<vmem>>) target_semaphore(%run_scoped3A : memref<!tpu.dma_semaphore, #tpu.memory_space<semaphore_mem>>)
      tpu.wait_dma2 semaphore(%run_scoped3A : memref<!tpu.dma_semaphore, #tpu.memory_space<semaphore_mem>>) src(%arg5 : memref<16xi32, #tpu.memory_space<hbm>>) dst(%arg13 : memref<16xi32, #tpu.memory_space<vmem>>)
      tpu.yield
    }) : () -> ()
    "tpu.region"() ({
      %run_scoped3A = tpu.sem_alloc : memref<!tpu.dma_semaphore, #tpu.memory_space<semaphore_mem>>
      tpu.enqueue_dma source(%arg6 : memref<2048xi32, #tpu.memory_space<hbm>>) target(%arg14 : memref<2048xi32, #tpu.memory_space<vmem>>) target_semaphore(%run_scoped3A : memref<!tpu.dma_semaphore, #tpu.memory_space<semaphore_mem>>)
      tpu.wait_dma2 semaphore(%run_scoped3A : memref<!tpu.dma_semaphore, #tpu.memory_space<semaphore_mem>>) src(%arg6 : memref<2048xi32, #tpu.memory_space<hbm>>) dst(%arg14 : memref<2048xi32, #tpu.memory_space<vmem>>)
      tpu.yield
    }) : () -> ()
    "tpu.region"() ({
      %run_scoped3A = tpu.sem_alloc : memref<!tpu.dma_semaphore, #tpu.memory_space<semaphore_mem>>
      tpu.enqueue_dma source(%arg7 : memref<2048xi32, #tpu.memory_space<hbm>>) target(%arg15 : memref<2048xi32, #tpu.memory_space<vmem>>) target_semaphore(%run_scoped3A : memref<!tpu.dma_semaphore, #tpu.memory_space<semaphore_mem>>)
      tpu.wait_dma2 semaphore(%run_scoped3A : memref<!tpu.dma_semaphore, #tpu.memory_space<semaphore_mem>>) src(%arg7 : memref<2048xi32, #tpu.memory_space<hbm>>) dst(%arg15 : memref<2048xi32, #tpu.memory_space<vmem>>)
      tpu.yield
    }) : () -> ()
    %get3A = arith.constant 0 : index
    %get3A_0 = tpu.vector_load %arg13[%get3A] {strides = array<i32>} : memref<16xi32, #tpu.memory_space<vmem>>, vector<16xi32>,
    %slice3A = vector.extract_strided_slice %get3A_0 {offsets = [0], sizes = [1], strides = [1]} : vector<16xi32> to vector<1xi32>
    %squeeze3A = vector.extract %slice3A[0] : i32 from vector<1xi32>
    %get3A_1 = arith.constant 0 : index
    %get3A_2 = tpu.vector_load %arg11[%get3A_1] {strides = array<i32>} : memref<16xi32, #tpu.memory_space<vmem>>, vector<16xi32>,
    %slice3A_3 = vector.extract_strided_slice %get3A_2 {offsets = [0], sizes = [1], strides = [1]} : vector<16xi32> to vector<1xi32>
    %squeeze3A_4 = vector.extract %slice3A_3[0] : i32 from vector<1xi32>
    %iota3A = tpu.iota {dimensions = array<i32: 0>} : vector<16xi32>
    %lt3A = arith.constant 1 : i32
    %lt3A_5 = vector.broadcast %lt3A : i32 to vector<16xi32>
    %lt3A_6 = arith.cmpi slt, %iota3A, %lt3A_5 : vector<16xi32>
    %scan3A = arith.constant 1536 : i32
    %scan3A_7 = arith.constant 18944 : i32
    %scan3A_8 = arith.addi %scan3A, %scan3A_7 : i32
    %scan3A_9 = arith.constant 4 : i32
    %scan3A_10 = scf.for %scan3A_17 = %scan3A to %scan3A_8 step %scan3A_9 iter_args(%scan3A_18 = %squeeze3A) -> (i32)  : i32 {
      %get3A_19 = arith.index_cast %scan3A_17 : i32 to index
      %get3A_20 = tpu.vector_load %arg10[%get3A_19] {strides = array<i32>} : memref<20496xi32, #tpu.memory_space<vmem>>, vector<16xi32>,
      %slice3A_21 = vector.extract_strided_slice %get3A_20 {offsets = [0], sizes = [1], strides = [1]} : vector<16xi32> to vector<1xi32>
      %squeeze3A_22 = vector.extract %slice3A_21[0] : i32 from vector<1xi32>
      %shift_right_arithmetic3A = arith.constant 12 : i32
      %shift_right_arithmetic3A_23 = arith.shrsi %squeeze3A_22, %shift_right_arithmetic3A : i32
      %and3A_24 = arith.constant 4095 : i32
      %and3A_25 = arith.andi %squeeze3A_22, %and3A_24 : i32
      %add3A = vector.broadcast %shift_right_arithmetic3A_23 : i32 to vector<16xi32>
      %add3A_26 = arith.addi %add3A, %iota3A : vector<16xi32>
      %le3A = vector.broadcast %and3A_25 : i32 to vector<16xi32>
      %le3A_27 = arith.cmpi sle, %add3A_26, %le3A : vector<16xi32>
      %min3A = arith.constant 2047 : i32
      %min3A_28 = vector.broadcast %min3A : i32 to vector<16xi32>
      %min3A_29 = arith.minsi %add3A_26, %min3A_28 : vector<16xi32>
      %gather3A = tpu.vector_load_idx %arg14[%min3A_29] : memref<2048xi32, #tpu.memory_space<vmem>>[vector<16xi32>], vector<16xi32>,
      %gather3A_30 = tpu.vector_load_idx %arg15[%min3A_29] : memref<2048xi32, #tpu.memory_space<vmem>>[vector<16xi32>], vector<16xi32>,
      %gt3A = vector.broadcast %shift_right_arithmetic3A_23 : i32 to vector<16xi32>
      %gt3A_31 = arith.cmpi sgt, %add3A_26, %gt3A : vector<16xi32>
      %and3A_32 = arith.andi %le3A_27, %gt3A_31 : vector<16xi1>
      %gt3A_33 = vector.broadcast %and3A_25 : i32 to vector<16xi32>
      %gt3A_34 = arith.cmpi sgt, %gather3A, %gt3A_33 : vector<16xi32>
      %and3A_35 = arith.andi %and3A_32, %gt3A_34 : vector<16xi1>
      %lt3A_36 = vector.broadcast %and3A_25 : i32 to vector<16xi32>
      %lt3A_37 = arith.cmpi slt, %add3A_26, %lt3A_36 : vector<16xi32>
      %and3A_38 = arith.andi %le3A_27, %lt3A_37 : vector<16xi1>
      %ge3A = arith.constant 0 : i32
      %ge3A_39 = vector.broadcast %ge3A : i32 to vector<16xi32>
      %ge3A_40 = arith.cmpi sge, %gather3A_30, %ge3A_39 : vector<16xi32>
      %and3A_41 = arith.andi %and3A_38, %ge3A_40 : vector<16xi1>
      %lt3A_42 = vector.broadcast %shift_right_arithmetic3A_23 : i32 to vector<16xi32>
      %lt3A_43 = arith.cmpi slt, %gather3A_30, %lt3A_42 : vector<16xi32>
      %and3A_44 = arith.andi %and3A_41, %lt3A_43 : vector<16xi1>
      %or3A = arith.ori %and3A_35, %and3A_44 : vector<16xi1>
      %all_reduce_population_count3A = tpu.all_reduce %or3A {dim = 0 : i64, kind = #tpu.reduction_kind<sum>} : vector<16xi1> -> vector<16xi32>
      %slice3A_45 = vector.extract_strided_slice %all_reduce_population_count3A {offsets = [0], sizes = [1], strides = [1]} : vector<16xi32> to vector<1xi32>
      %squeeze3A_46 = vector.extract %slice3A_45[0] : i32 from vector<1xi32>
      %lt3A_47 = arith.constant 819 : i32
      %lt3A_48 = arith.cmpi slt, %scan3A_18, %lt3A_47 : i32
      %eq3A_49 = arith.constant 0 : i32
      %eq3A_50 = arith.cmpi eq, %squeeze3A_46, %eq3A_49 : i32
      %and3A_51 = arith.andi %lt3A_48, %eq3A_50 : i1
      %lt3A_52 = arith.cmpi slt, %scan3A_17, %squeeze3A_4 : i32
      %and3A_53 = arith.andi %and3A_51, %lt3A_52 : i1
      %and3A_54 = vector.broadcast %and3A_53 : i1 to vector<16xi1>
      %and3A_55 = arith.andi %lt3A_6, %and3A_54 : vector<16xi1>
      %broadcast_in_dim3A_56 = vector.broadcast %shift_right_arithmetic3A_23 : i32 to vector<16xi32>
      %min3A_57 = arith.constant 2047 : i32
      %min3A_58 = arith.minsi %and3A_25, %min3A_57 : i32
      %broadcast_in_dim3A_59 = vector.broadcast %min3A_58 : i32 to vector<16xi32>
      %broadcast_in_dim3A_60 = vector.broadcast %scan3A_18 : i32 to vector<16xi32>
      %mul3A = arith.constant 9 : i32
      %mul3A_61 = arith.muli %mul3A, %shift_right_arithmetic3A_23 : i32
      %add3A_62 = arith.addi %mul3A_61, %and3A_25 : i32
      %broadcast_in_dim3A_63 = vector.broadcast %add3A_62 : i32 to vector<16xi32>
      tpu.vector_store_idx %arg12[%broadcast_in_dim3A_60], %broadcast_in_dim3A_63 masked %and3A_55 : memref<832xi32, #tpu.memory_space<vmem>>[vector<16xi32>], vector<16xi32>, vector<16xi1>
      %slice3A_64 = vector.extract_strided_slice %gather3A {offsets = [0], sizes = [1], strides = [1]} : vector<16xi32> to vector<1xi32>
      %squeeze3A_65 = vector.extract %slice3A_64[0] : i32 from vector<1xi32>
      %max3A = arith.maxsi %squeeze3A_65, %and3A_25 : i32
      %broadcast_in_dim3A_66 = vector.broadcast %max3A : i32 to vector<16xi32>
      tpu.vector_store_idx %arg14[%broadcast_in_dim3A_56], %broadcast_in_dim3A_66 masked %and3A_55 : memref<2048xi32, #tpu.memory_space<vmem>>[vector<16xi32>], vector<16xi32>, vector<16xi1>
      %gather3A_67 = tpu.vector_load_idx %arg15[%broadcast_in_dim3A_59] : memref<2048xi32, #tpu.memory_space<vmem>>[vector<16xi32>], vector<16xi32>,
      %slice3A_68 = vector.extract_strided_slice %gather3A_67 {offsets = [0], sizes = [1], strides = [1]} : vector<16xi32> to vector<1xi32>
      %squeeze3A_69 = vector.extract %slice3A_68[0] : i32 from vector<1xi32>
      %eq3A_70 = arith.constant -1 : i32
      %eq3A_71 = arith.cmpi eq, %squeeze3A_69, %eq3A_70 : i32
      %lt3A_72 = arith.cmpi slt, %shift_right_arithmetic3A_23, %squeeze3A_69 : i32
      %or3A_73 = arith.ori %eq3A_71, %lt3A_72 : i1
      %select_n3A = arith.select %or3A_73, %shift_right_arithmetic3A_23, %squeeze3A_69 : i32
      %broadcast_in_dim3A_74 = vector.broadcast %select_n3A : i32 to vector<16xi32>
      tpu.vector_store_idx %arg15[%broadcast_in_dim3A_59], %broadcast_in_dim3A_74 masked %and3A_55 : memref<2048xi32, #tpu.memory_space<vmem>>[vector<16xi32>], vector<16xi32>, vector<16xi1>
      %jit3A = arith.constant 1 : i32
      %jit3A_75 = arith.constant 0 : i32
      %select_n3A_76 = arith.select %and3A_53, %jit3A, %jit3A_75 : i32
      %add3A_77 = arith.addi %scan3A_18, %select_n3A_76 : i32
      %scan3A_78 = arith.constant 1 : i32
      %scan3A_79 = arith.addi %scan3A_17, %scan3A_78 : i32
      %get3A_80 = arith.index_cast %scan3A_79 : i32 to index
      %get3A_81 = tpu.vector_load %arg10[%get3A_80] {strides = array<i32>} : memref<20496xi32, #tpu.memory_space<vmem>>, vector<16xi32>,
      %slice3A_82 = vector.extract_strided_slice %get3A_81 {offsets = [0], sizes = [1], strides = [1]} : vector<16xi32> to vector<1xi32>
      %squeeze3A_83 = vector.extract %slice3A_82[0] : i32 from vector<1xi32>
      %shift_right_arithmetic3A_84 = arith.constant 12 : i32
      %shift_right_arithmetic3A_85 = arith.shrsi %squeeze3A_83, %shift_right_arithmetic3A_84 : i32
      %and3A_86 = arith.constant 4095 : i32
      %and3A_87 = arith.andi %squeeze3A_83, %and3A_86 : i32
      %add3A_88 = vector.broadcast %shift_right_arithmetic3A_85 : i32 to vector<16xi32>
      %add3A_89 = arith.addi %add3A_88, %iota3A : vector<16xi32>
      %le3A_90 = vector.broadcast %and3A_87 : i32 to vector<16xi32>
      %le3A_91 = arith.cmpi sle, %add3A_89, %le3A_90 : vector<16xi32>
      %min3A_92 = arith.constant 2047 : i32
      %min3A_93 = vector.broadcast %min3A_92 : i32 to vector<16xi32>
      %min3A_94 = arith.minsi %add3A_89, %min3A_93 : vector<16xi32>
      %gather3A_95 = tpu.vector_load_idx %arg14[%min3A_94] : memref<2048xi32, #tpu.memory_space<vmem>>[vector<16xi32>], vector<16xi32>,
      %gather3A_96 = tpu.vector_load_idx %arg15[%min3A_94] : memref<2048xi32, #tpu.memory_space<vmem>>[vector<16xi32>], vector<16xi32>,
      %gt3A_97 = vector.broadcast %shift_right_arithmetic3A_85 : i32 to vector<16xi32>
      %gt3A_98 = arith.cmpi sgt, %add3A_89, %gt3A_97 : vector<16xi32>
      %and3A_99 = arith.andi %le3A_91, %gt3A_98 : vector<16xi1>
      %gt3A_100 = vector.broadcast %and3A_87 : i32 to vector<16xi32>
      %gt3A_101 = arith.cmpi sgt, %gather3A_95, %gt3A_100 : vector<16xi32>
      %and3A_102 = arith.andi %and3A_99, %gt3A_101 : vector<16xi1>
      %lt3A_103 = vector.broadcast %and3A_87 : i32 to vector<16xi32>
      %lt3A_104 = arith.cmpi slt, %add3A_89, %lt3A_103 : vector<16xi32>
      %and3A_105 = arith.andi %le3A_91, %lt3A_104 : vector<16xi1>
      %ge3A_106 = arith.constant 0 : i32
      %ge3A_107 = vector.broadcast %ge3A_106 : i32 to vector<16xi32>
      %ge3A_108 = arith.cmpi sge, %gather3A_96, %ge3A_107 : vector<16xi32>
      %and3A_109 = arith.andi %and3A_105, %ge3A_108 : vector<16xi1>
      %lt3A_110 = vector.broadcast %shift_right_arithmetic3A_85 : i32 to vector<16xi32>
      %lt3A_111 = arith.cmpi slt, %gather3A_96, %lt3A_110 : vector<16xi32>
      %and3A_112 = arith.andi %and3A_109, %lt3A_111 : vector<16xi1>
      %or3A_113 = arith.ori %and3A_102, %and3A_112 : vector<16xi1>
      %all_reduce_population_count3A_114 = tpu.all_reduce %or3A_113 {dim = 0 : i64, kind = #tpu.reduction_kind<sum>} : vector<16xi1> -> vector<16xi32>
      %slice3A_115 = vector.extract_strided_slice %all_reduce_population_count3A_114 {offsets = [0], sizes = [1], strides = [1]} : vector<16xi32> to vector<1xi32>
      %squeeze3A_116 = vector.extract %slice3A_115[0] : i32 from vector<1xi32>
      %lt3A_117 = arith.constant 819 : i32
      %lt3A_118 = arith.cmpi slt, %add3A_77, %lt3A_117 : i32
      %eq3A_119 = arith.constant 0 : i32
      %eq3A_120 = arith.cmpi eq, %squeeze3A_116, %eq3A_119 : i32
      %and3A_121 = arith.andi %lt3A_118, %eq3A_120 : i1
      %lt3A_122 = arith.cmpi slt, %scan3A_79, %squeeze3A_4 : i32
      %and3A_123 = arith.andi %and3A_121, %lt3A_122 : i1
      %and3A_124 = vector.broadcast %and3A_123 : i1 to vector<16xi1>
      %and3A_125 = arith.andi %lt3A_6, %and3A_124 : vector<16xi1>
      %broadcast_in_dim3A_126 = vector.broadcast %shift_right_arithmetic3A_85 : i32 to vector<16xi32>
      %min3A_127 = arith.constant 2047 : i32
      %min3A_128 = arith.minsi %and3A_87, %min3A_127 : i32
      %broadcast_in_dim3A_129 = vector.broadcast %min3A_128 : i32 to vector<16xi32>
      %broadcast_in_dim3A_130 = vector.broadcast %add3A_77 : i32 to vector<16xi32>
      %mul3A_131 = arith.constant 9 : i32
      %mul3A_132 = arith.muli %mul3A_131, %shift_right_arithmetic3A_85 : i32
      %add3A_133 = arith.addi %mul3A_132, %and3A_87 : i32
      %broadcast_in_dim3A_134 = vector.broadcast %add3A_133 : i32 to vector<16xi32>
      tpu.vector_store_idx %arg12[%broadcast_in_dim3A_130], %broadcast_in_dim3A_134 masked %and3A_125 : memref<832xi32, #tpu.memory_space<vmem>>[vector<16xi32>], vector<16xi32>, vector<16xi1>
      %slice3A_135 = vector.extract_strided_slice %gather3A_95 {offsets = [0], sizes = [1], strides = [1]} : vector<16xi32> to vector<1xi32>
      %squeeze3A_136 = vector.extract %slice3A_135[0] : i32 from vector<1xi32>
      %max3A_137 = arith.maxsi %squeeze3A_136, %and3A_87 : i32
      %broadcast_in_dim3A_138 = vector.broadcast %max3A_137 : i32 to vector<16xi32>
      tpu.vector_store_idx %arg14[%broadcast_in_dim3A_126], %broadcast_in_dim3A_138 masked %and3A_125 : memref<2048xi32, #tpu.memory_space<vmem>>[vector<16xi32>], vector<16xi32>, vector<16xi1>
      %gather3A_139 = tpu.vector_load_idx %arg15[%broadcast_in_dim3A_129] : memref<2048xi32, #tpu.memory_space<vmem>>[vector<16xi32>], vector<16xi32>,
      %slice3A_140 = vector.extract_strided_slice %gather3A_139 {offsets = [0], sizes = [1], strides = [1]} : vector<16xi32> to vector<1xi32>
      %squeeze3A_141 = vector.extract %slice3A_140[0] : i32 from vector<1xi32>
      %eq3A_142 = arith.constant -1 : i32
      %eq3A_143 = arith.cmpi eq, %squeeze3A_141, %eq3A_142 : i32
      %lt3A_144 = arith.cmpi slt, %shift_right_arithmetic3A_85, %squeeze3A_141 : i32
      %or3A_145 = arith.ori %eq3A_143, %lt3A_144 : i1
      %select_n3A_146 = arith.select %or3A_145, %shift_right_arithmetic3A_85, %squeeze3A_141 : i32
      %broadcast_in_dim3A_147 = vector.broadcast %select_n3A_146 : i32 to vector<16xi32>
      tpu.vector_store_idx %arg15[%broadcast_in_dim3A_129], %broadcast_in_dim3A_147 masked %and3A_125 : memref<2048xi32, #tpu.memory_space<vmem>>[vector<16xi32>], vector<16xi32>, vector<16xi1>
      %jit3A_148 = arith.constant 1 : i32
      %jit3A_149 = arith.constant 0 : i32
      %select_n3A_150 = arith.select %and3A_123, %jit3A_148, %jit3A_149 : i32
      %add3A_151 = arith.addi %add3A_77, %select_n3A_150 : i32
      %scan3A_152 = arith.constant 2 : i32
      %scan3A_153 = arith.addi %scan3A_17, %scan3A_152 : i32
      %get3A_154 = arith.index_cast %scan3A_153 : i32 to index
      %get3A_155 = tpu.vector_load %arg10[%get3A_154] {strides = array<i32>} : memref<20496xi32, #tpu.memory_space<vmem>>, vector<16xi32>,
      %slice3A_156 = vector.extract_strided_slice %get3A_155 {offsets = [0], sizes = [1], strides = [1]} : vector<16xi32> to vector<1xi32>
      %squeeze3A_157 = vector.extract %slice3A_156[0] : i32 from vector<1xi32>
      %shift_right_arithmetic3A_158 = arith.constant 12 : i32
      %shift_right_arithmetic3A_159 = arith.shrsi %squeeze3A_157, %shift_right_arithmetic3A_158 : i32
      %and3A_160 = arith.constant 4095 : i32
      %and3A_161 = arith.andi %squeeze3A_157, %and3A_160 : i32
      %add3A_162 = vector.broadcast %shift_right_arithmetic3A_159 : i32 to vector<16xi32>
      %add3A_163 = arith.addi %add3A_162, %iota3A : vector<16xi32>
      %le3A_164 = vector.broadcast %and3A_161 : i32 to vector<16xi32>
      %le3A_165 = arith.cmpi sle, %add3A_163, %le3A_164 : vector<16xi32>
      %min3A_166 = arith.constant 2047 : i32
      %min3A_167 = vector.broadcast %min3A_166 : i32 to vector<16xi32>
      %min3A_168 = arith.minsi %add3A_163, %min3A_167 : vector<16xi32>
      %gather3A_169 = tpu.vector_load_idx %arg14[%min3A_168] : memref<2048xi32, #tpu.memory_space<vmem>>[vector<16xi32>], vector<16xi32>,
      %gather3A_170 = tpu.vector_load_idx %arg15[%min3A_168] : memref<2048xi32, #tpu.memory_space<vmem>>[vector<16xi32>], vector<16xi32>,
      %gt3A_171 = vector.broadcast %shift_right_arithmetic3A_159 : i32 to vector<16xi32>
      %gt3A_172 = arith.cmpi sgt, %add3A_163, %gt3A_171 : vector<16xi32>
      %and3A_173 = arith.andi %le3A_165, %gt3A_172 : vector<16xi1>
      %gt3A_174 = vector.broadcast %and3A_161 : i32 to vector<16xi32>
      %gt3A_175 = arith.cmpi sgt, %gather3A_169, %gt3A_174 : vector<16xi32>
      %and3A_176 = arith.andi %and3A_173, %gt3A_175 : vector<16xi1>
      %lt3A_177 = vector.broadcast %and3A_161 : i32 to vector<16xi32>
      %lt3A_178 = arith.cmpi slt, %add3A_163, %lt3A_177 : vector<16xi32>
      %and3A_179 = arith.andi %le3A_165, %lt3A_178 : vector<16xi1>
      %ge3A_180 = arith.constant 0 : i32
      %ge3A_181 = vector.broadcast %ge3A_180 : i32 to vector<16xi32>
      %ge3A_182 = arith.cmpi sge, %gather3A_170, %ge3A_181 : vector<16xi32>
      %and3A_183 = arith.andi %and3A_179, %ge3A_182 : vector<16xi1>
      %lt3A_184 = vector.broadcast %shift_right_arithmetic3A_159 : i32 to vector<16xi32>
      %lt3A_185 = arith.cmpi slt, %gather3A_170, %lt3A_184 : vector<16xi32>
      %and3A_186 = arith.andi %and3A_183, %lt3A_185 : vector<16xi1>
      %or3A_187 = arith.ori %and3A_176, %and3A_186 : vector<16xi1>
      %all_reduce_population_count3A_188 = tpu.all_reduce %or3A_187 {dim = 0 : i64, kind = #tpu.reduction_kind<sum>} : vector<16xi1> -> vector<16xi32>
      %slice3A_189 = vector.extract_strided_slice %all_reduce_population_count3A_188 {offsets = [0], sizes = [1], strides = [1]} : vector<16xi32> to vector<1xi32>
      %squeeze3A_190 = vector.extract %slice3A_189[0] : i32 from vector<1xi32>
      %lt3A_191 = arith.constant 819 : i32
      %lt3A_192 = arith.cmpi slt, %add3A_151, %lt3A_191 : i32
      %eq3A_193 = arith.constant 0 : i32
      %eq3A_194 = arith.cmpi eq, %squeeze3A_190, %eq3A_193 : i32
      %and3A_195 = arith.andi %lt3A_192, %eq3A_194 : i1
      %lt3A_196 = arith.cmpi slt, %scan3A_153, %squeeze3A_4 : i32
      %and3A_197 = arith.andi %and3A_195, %lt3A_196 : i1
      %and3A_198 = vector.broadcast %and3A_197 : i1 to vector<16xi1>
      %and3A_199 = arith.andi %lt3A_6, %and3A_198 : vector<16xi1>
      %broadcast_in_dim3A_200 = vector.broadcast %shift_right_arithmetic3A_159 : i32 to vector<16xi32>
      %min3A_201 = arith.constant 2047 : i32
      %min3A_202 = arith.minsi %and3A_161, %min3A_201 : i32
      %broadcast_in_dim3A_203 = vector.broadcast %min3A_202 : i32 to vector<16xi32>
      %broadcast_in_dim3A_204 = vector.broadcast %add3A_151 : i32 to vector<16xi32>
      %mul3A_205 = arith.constant 9 : i32
      %mul3A_206 = arith.muli %mul3A_205, %shift_right_arithmetic3A_159 : i32
      %add3A_207 = arith.addi %mul3A_206, %and3A_161 : i32
      %broadcast_in_dim3A_208 = vector.broadcast %add3A_207 : i32 to vector<16xi32>
      tpu.vector_store_idx %arg12[%broadcast_in_dim3A_204], %broadcast_in_dim3A_208 masked %and3A_199 : memref<832xi32, #tpu.memory_space<vmem>>[vector<16xi32>], vector<16xi32>, vector<16xi1>
      %slice3A_209 = vector.extract_strided_slice %gather3A_169 {offsets = [0], sizes = [1], strides = [1]} : vector<16xi32> to vector<1xi32>
      %squeeze3A_210 = vector.extract %slice3A_209[0] : i32 from vector<1xi32>
      %max3A_211 = arith.maxsi %squeeze3A_210, %and3A_161 : i32
      %broadcast_in_dim3A_212 = vector.broadcast %max3A_211 : i32 to vector<16xi32>
      tpu.vector_store_idx %arg14[%broadcast_in_dim3A_200], %broadcast_in_dim3A_212 masked %and3A_199 : memref<2048xi32, #tpu.memory_space<vmem>>[vector<16xi32>], vector<16xi32>, vector<16xi1>
      %gather3A_213 = tpu.vector_load_idx %arg15[%broadcast_in_dim3A_203] : memref<2048xi32, #tpu.memory_space<vmem>>[vector<16xi32>], vector<16xi32>,
      %slice3A_214 = vector.extract_strided_slice %gather3A_213 {offsets = [0], sizes = [1], strides = [1]} : vector<16xi32> to vector<1xi32>
      %squeeze3A_215 = vector.extract %slice3A_214[0] : i32 from vector<1xi32>
      %eq3A_216 = arith.constant -1 : i32
      %eq3A_217 = arith.cmpi eq, %squeeze3A_215, %eq3A_216 : i32
      %lt3A_218 = arith.cmpi slt, %shift_right_arithmetic3A_159, %squeeze3A_215 : i32
      %or3A_219 = arith.ori %eq3A_217, %lt3A_218 : i1
      %select_n3A_220 = arith.select %or3A_219, %shift_right_arithmetic3A_159, %squeeze3A_215 : i32
      %broadcast_in_dim3A_221 = vector.broadcast %select_n3A_220 : i32 to vector<16xi32>
      tpu.vector_store_idx %arg15[%broadcast_in_dim3A_203], %broadcast_in_dim3A_221 masked %and3A_199 : memref<2048xi32, #tpu.memory_space<vmem>>[vector<16xi32>], vector<16xi32>, vector<16xi1>
      %jit3A_222 = arith.constant 1 : i32
      %jit3A_223 = arith.constant 0 : i32
      %select_n3A_224 = arith.select %and3A_197, %jit3A_222, %jit3A_223 : i32
      %add3A_225 = arith.addi %add3A_151, %select_n3A_224 : i32
      %scan3A_226 = arith.constant 3 : i32
      %scan3A_227 = arith.addi %scan3A_17, %scan3A_226 : i32
      %get3A_228 = arith.index_cast %scan3A_227 : i32 to index
      %get3A_229 = tpu.vector_load %arg10[%get3A_228] {strides = array<i32>} : memref<20496xi32, #tpu.memory_space<vmem>>, vector<16xi32>,
      %slice3A_230 = vector.extract_strided_slice %get3A_229 {offsets = [0], sizes = [1], strides = [1]} : vector<16xi32> to vector<1xi32>
      %squeeze3A_231 = vector.extract %slice3A_230[0] : i32 from vector<1xi32>
      %shift_right_arithmetic3A_232 = arith.constant 12 : i32
      %shift_right_arithmetic3A_233 = arith.shrsi %squeeze3A_231, %shift_right_arithmetic3A_232 : i32
      %and3A_234 = arith.constant 4095 : i32
      %and3A_235 = arith.andi %squeeze3A_231, %and3A_234 : i32
      %add3A_236 = vector.broadcast %shift_right_arithmetic3A_233 : i32 to vector<16xi32>
      %add3A_237 = arith.addi %add3A_236, %iota3A : vector<16xi32>
      %le3A_238 = vector.broadcast %and3A_235 : i32 to vector<16xi32>
      %le3A_239 = arith.cmpi sle, %add3A_237, %le3A_238 : vector<16xi32>
      %min3A_240 = arith.constant 2047 : i32
      %min3A_241 = vector.broadcast %min3A_240 : i32 to vector<16xi32>
      %min3A_242 = arith.minsi %add3A_237, %min3A_241 : vector<16xi32>
      %gather3A_243 = tpu.vector_load_idx %arg14[%min3A_242] : memref<2048xi32, #tpu.memory_space<vmem>>[vector<16xi32>], vector<16xi32>,
      %gather3A_244 = tpu.vector_load_idx %arg15[%min3A_242] : memref<2048xi32, #tpu.memory_space<vmem>>[vector<16xi32>], vector<16xi32>,
      %gt3A_245 = vector.broadcast %shift_right_arithmetic3A_233 : i32 to vector<16xi32>
      %gt3A_246 = arith.cmpi sgt, %add3A_237, %gt3A_245 : vector<16xi32>
      %and3A_247 = arith.andi %le3A_239, %gt3A_246 : vector<16xi1>
      %gt3A_248 = vector.broadcast %and3A_235 : i32 to vector<16xi32>
      %gt3A_249 = arith.cmpi sgt, %gather3A_243, %gt3A_248 : vector<16xi32>
      %and3A_250 = arith.andi %and3A_247, %gt3A_249 : vector<16xi1>
      %lt3A_251 = vector.broadcast %and3A_235 : i32 to vector<16xi32>
      %lt3A_252 = arith.cmpi slt, %add3A_237, %lt3A_251 : vector<16xi32>
      %and3A_253 = arith.andi %le3A_239, %lt3A_252 : vector<16xi1>
      %ge3A_254 = arith.constant 0 : i32
      %ge3A_255 = vector.broadcast %ge3A_254 : i32 to vector<16xi32>
      %ge3A_256 = arith.cmpi sge, %gather3A_244, %ge3A_255 : vector<16xi32>
      %and3A_257 = arith.andi %and3A_253, %ge3A_256 : vector<16xi1>
      %lt3A_258 = vector.broadcast %shift_right_arithmetic3A_233 : i32 to vector<16xi32>
      %lt3A_259 = arith.cmpi slt, %gather3A_244, %lt3A_258 : vector<16xi32>
      %and3A_260 = arith.andi %and3A_257, %lt3A_259 : vector<16xi1>
      %or3A_261 = arith.ori %and3A_250, %and3A_260 : vector<16xi1>
      %all_reduce_population_count3A_262 = tpu.all_reduce %or3A_261 {dim = 0 : i64, kind = #tpu.reduction_kind<sum>} : vector<16xi1> -> vector<16xi32>
      %slice3A_263 = vector.extract_strided_slice %all_reduce_population_count3A_262 {offsets = [0], sizes = [1], strides = [1]} : vector<16xi32> to vector<1xi32>
      %squeeze3A_264 = vector.extract %slice3A_263[0] : i32 from vector<1xi32>
      %lt3A_265 = arith.constant 819 : i32
      %lt3A_266 = arith.cmpi slt, %add3A_225, %lt3A_265 : i32
      %eq3A_267 = arith.constant 0 : i32
      %eq3A_268 = arith.cmpi eq, %squeeze3A_264, %eq3A_267 : i32
      %and3A_269 = arith.andi %lt3A_266, %eq3A_268 : i1
      %lt3A_270 = arith.cmpi slt, %scan3A_227, %squeeze3A_4 : i32
      %and3A_271 = arith.andi %and3A_269, %lt3A_270 : i1
      %and3A_272 = vector.broadcast %and3A_271 : i1 to vector<16xi1>
      %and3A_273 = arith.andi %lt3A_6, %and3A_272 : vector<16xi1>
      %broadcast_in_dim3A_274 = vector.broadcast %shift_right_arithmetic3A_233 : i32 to vector<16xi32>
      %min3A_275 = arith.constant 2047 : i32
      %min3A_276 = arith.minsi %and3A_235, %min3A_275 : i32
      %broadcast_in_dim3A_277 = vector.broadcast %min3A_276 : i32 to vector<16xi32>
      %broadcast_in_dim3A_278 = vector.broadcast %add3A_225 : i32 to vector<16xi32>
      %mul3A_279 = arith.constant 9 : i32
      %mul3A_280 = arith.muli %mul3A_279, %shift_right_arithmetic3A_233 : i32
      %add3A_281 = arith.addi %mul3A_280, %and3A_235 : i32
      %broadcast_in_dim3A_282 = vector.broadcast %add3A_281 : i32 to vector<16xi32>
      tpu.vector_store_idx %arg12[%broadcast_in_dim3A_278], %broadcast_in_dim3A_282 masked %and3A_273 : memref<832xi32, #tpu.memory_space<vmem>>[vector<16xi32>], vector<16xi32>, vector<16xi1>
      %slice3A_283 = vector.extract_strided_slice %gather3A_243 {offsets = [0], sizes = [1], strides = [1]} : vector<16xi32> to vector<1xi32>
      %squeeze3A_284 = vector.extract %slice3A_283[0] : i32 from vector<1xi32>
      %max3A_285 = arith.maxsi %squeeze3A_284, %and3A_235 : i32
      %broadcast_in_dim3A_286 = vector.broadcast %max3A_285 : i32 to vector<16xi32>
      tpu.vector_store_idx %arg14[%broadcast_in_dim3A_274], %broadcast_in_dim3A_286 masked %and3A_273 : memref<2048xi32, #tpu.memory_space<vmem>>[vector<16xi32>], vector<16xi32>, vector<16xi1>
      %gather3A_287 = tpu.vector_load_idx %arg15[%broadcast_in_dim3A_277] : memref<2048xi32, #tpu.memory_space<vmem>>[vector<16xi32>], vector<16xi32>,
      %slice3A_288 = vector.extract_strided_slice %gather3A_287 {offsets = [0], sizes = [1], strides = [1]} : vector<16xi32> to vector<1xi32>
      %squeeze3A_289 = vector.extract %slice3A_288[0] : i32 from vector<1xi32>
      %eq3A_290 = arith.constant -1 : i32
      %eq3A_291 = arith.cmpi eq, %squeeze3A_289, %eq3A_290 : i32
      %lt3A_292 = arith.cmpi slt, %shift_right_arithmetic3A_233, %squeeze3A_289 : i32
      %or3A_293 = arith.ori %eq3A_291, %lt3A_292 : i1
      %select_n3A_294 = arith.select %or3A_293, %shift_right_arithmetic3A_233, %squeeze3A_289 : i32
      %broadcast_in_dim3A_295 = vector.broadcast %select_n3A_294 : i32 to vector<16xi32>
      tpu.vector_store_idx %arg15[%broadcast_in_dim3A_277], %broadcast_in_dim3A_295 masked %and3A_273 : memref<2048xi32, #tpu.memory_space<vmem>>[vector<16xi32>], vector<16xi32>, vector<16xi1>
      %jit3A_296 = arith.constant 1 : i32
      %jit3A_297 = arith.constant 0 : i32
      %select_n3A_298 = arith.select %and3A_271, %jit3A_296, %jit3A_297 : i32
      %add3A_299 = arith.addi %add3A_225, %select_n3A_298 : i32
      scf.yield %add3A_299 : i32
    }
    %scan3A_11 = arith.constant 18944 : i32
    %broadcast_in_dim3A = vector.broadcast %scan3A_10 : i32 to vector<16xi32>
    %swap3A = arith.constant 0 : index
    %swap3A_12 = tpu.vector_load %arg13[%swap3A] {strides = array<i32>} : memref<16xi32, #tpu.memory_space<vmem>>, vector<16xi32>,
    tpu.vector_store %arg13[%swap3A], %broadcast_in_dim3A {strides = array<i32>} : memref<16xi32, #tpu.memory_space<vmem>>, vector<16xi32>,
    %eq3A = arith.constant 0 : i32
    %eq3A_13 = arith.cmpi eq, %arg0, %eq3A : i32
    %eq3A_14 = arith.constant 0 : i32
    %eq3A_15 = arith.cmpi eq, %arg1, %eq3A_14 : i32
    %and3A = arith.andi %eq3A_13, %eq3A_15 : i1
    %convert_element_type3A = arith.extui %and3A : i1 to i32
    %cond3A = arith.constant 0 : i32
    %cond3A_16 = arith.cmpi ne, %convert_element_type3A, %cond3A : i32
    scf.if %cond3A_16 {
      "tpu.region"() ({
        %run_scoped3A = tpu.sem_alloc : memref<!tpu.dma_semaphore, #tpu.memory_space<semaphore_mem>>
        tpu.enqueue_dma source(%arg12 : memref<832xi32, #tpu.memory_space<vmem>>) target(%arg8 : memref<832xi32, #tpu.memory_space<hbm>>) target_semaphore(%run_scoped3A : memref<!tpu.dma_semaphore, #tpu.memory_space<semaphore_mem>>)
        tpu.wait_dma2 semaphore(%run_scoped3A : memref<!tpu.dma_semaphore, #tpu.memory_space<semaphore_mem>>) src(%arg12 : memref<832xi32, #tpu.memory_space<vmem>>) dst(%arg8 : memref<832xi32, #tpu.memory_space<hbm>>)
        tpu.yield
      }) : () -> ()
      "tpu.region"() ({
        %run_scoped3A = tpu.sem_alloc : memref<!tpu.dma_semaphore, #tpu.memory_space<semaphore_mem>>
        tpu.enqueue_dma source(%arg13 : memref<16xi32, #tpu.memory_space<vmem>>) target(%arg9 : memref<16xi32, #tpu.memory_space<hbm>>) target_semaphore(%run_scoped3A : memref<!tpu.dma_semaphore, #tpu.memory_space<semaphore_mem>>)
        tpu.wait_dma2 semaphore(%run_scoped3A : memref<!tpu.dma_semaphore, #tpu.memory_space<semaphore_mem>>) src(%arg13 : memref<16xi32, #tpu.memory_space<vmem>>) dst(%arg9 : memref<16xi32, #tpu.memory_space<hbm>>)
        tpu.yield
      }) : () -> ()
    } else {
    }
    return
  }
}

module {
  func.func @main(%arg0: i32, %arg1: i32, %arg2: memref<1280x1024xf32, #tpu.memory_space<vmem>>, %arg3: memref<1024x768xf32, #tpu.memory_space<vmem>>, %arg4: memref<1280x768xf32, #tpu.memory_space<vmem>>, %arg5: memref<1280x1xf32, #tpu.memory_space<vmem>>, %arg6: memref<1280x1xf32, #tpu.memory_space<vmem>>) attributes {dimension_semantics = [#tpu.dimension_semantics<parallel>, #tpu.dimension_semantics<arbitrary>], iteration_bounds = array<i64: 16, 2>, scratch_operands = 2 : i64, window_params = [{transform_indices = @qk_fn, window_bounds = array<i64: 1280, 1024>}, {transform_indices = @v_fn, window_bounds = array<i64: 1024, 768>}, {transform_indices = @oi_fn, window_bounds = array<i64: 1280, 768>}]} {
    %c0 = arith.constant 0 : index
    %c0_i32 = arith.constant 0 : i32
    %0 = arith.cmpi eq, %c0_i32, %arg1 : i32
    scf.if %0 {
      %cst_3 = arith.constant dense<0.000000e+00> : vector<1280x768xf32>
      vector.store %cst_3, %arg4[%c0, %c0] : memref<1280x768xf32, #tpu.memory_space<vmem>>, vector<1280x768xf32>
      %cst_4 = arith.constant dense<0xFF800000> : vector<1280x1xf32>
      vector.store %cst_4, %arg5[%c0, %c0] : memref<1280x1xf32, #tpu.memory_space<vmem>>, vector<1280x1xf32>
      %cst_5 = arith.constant dense<0.000000e+00> : vector<1280x1xf32>
      vector.store %cst_5, %arg6[%c0, %c0] : memref<1280x1xf32, #tpu.memory_space<vmem>>, vector<1280x1xf32>
    }
    %1 = vector.load %arg2[%c0, %c0] : memref<1280x1024xf32, #tpu.memory_space<vmem>>, vector<1280x1024xf32>
    %cst = arith.constant dense<0xFF800000> : vector<1280xf32>
    %2 = vector.multi_reduction <maximumf>, %1, %cst [1] : vector<1280x1024xf32> to vector<1280xf32>
    %3 = vector.shape_cast %2 : vector<1280xf32> to vector<1280x1xf32>
    %4 = vector.load %arg5[%c0, %c0] : memref<1280x1xf32, #tpu.memory_space<vmem>>, vector<1280x1xf32>
    %5 = arith.maximumf %4, %3 : vector<1280x1xf32>
    %cst_0 = arith.constant dense<0.000000e+00> : vector<1280x1xf32>
    %6 = arith.cmpf oeq, %4, %5 : vector<1280x1xf32>
    %7 = arith.subf %4, %5 : vector<1280x1xf32>
    %8 = arith.select %6, %cst_0, %7 : vector<1280x1xi1>, vector<1280x1xf32>
    %9 = vector.broadcast %5 : vector<1280x1xf32> to vector<1280x1024xf32>
    %10 = arith.subf %1, %9 : vector<1280x1024xf32>
    %11 = math.exp %10 : vector<1280x1024xf32>
    %cst_1 = arith.constant dense<0.000000e+00> : vector<1280xf32>
    %12 = vector.multi_reduction <add>, %11, %cst_1 [1] : vector<1280x1024xf32> to vector<1280xf32>
    %13 = vector.shape_cast %12 : vector<1280xf32> to vector<1280x1xf32>
    %14 = vector.load %arg6[%c0, %c0] : memref<1280x1xf32, #tpu.memory_space<vmem>>, vector<1280x1xf32>
    %15 = math.exp %8 : vector<1280x1xf32>
    %16 = arith.mulf %15, %14 : vector<1280x1xf32>
    %17 = arith.addf %16, %13 : vector<1280x1xf32>
    %18 = vector.load %arg4[%c0, %c0] : memref<1280x768xf32, #tpu.memory_space<vmem>>, vector<1280x768xf32>
    %19 = math.exp %8 : vector<1280x1xf32>
    %20 = arith.mulf %19, %14 : vector<1280x1xf32>
    %21 = vector.broadcast %20 : vector<1280x1xf32> to vector<1280x768xf32>
    %22 = arith.mulf %21, %18 : vector<1280x768xf32>
    %23 = vector.load %arg3[%c0, %c0] : memref<1024x768xf32, #tpu.memory_space<vmem>>, vector<1024x768xf32>
    %24 = vector.shape_cast %23 : vector<1024x768xf32> to vector<1024x768xf32>
    %25 = vector.shape_cast %11 : vector<1280x1024xf32> to vector<1280x1024xf32>
    %26 = vector.shape_cast %22 : vector<1280x768xf32> to vector<1280x768xf32>
    %27 = tpu.matmul %25, %24, %26 {dimension_numbers = #tpu.dot_dimension_numbers<[1], [0], [0], [1], [0, 0, 1, 1], [], []>, precision = #tpu.contract_precision<bf16>, transpose_lhs_hint = false} : vector<1280x1024xf32>, vector<1024x768xf32>, vector<1280x768xf32> -> vector<1280x768xf32>
    %28 = vector.shape_cast %27 : vector<1280x768xf32> to vector<1280x768xf32>
    %cst_2 = arith.constant dense<1.000000e+00> : vector<1280x1xf32>
    %29 = arith.divf %cst_2, %17 : vector<1280x1xf32>
    %30 = vector.broadcast %29 : vector<1280x1xf32> to vector<1280x768xf32>
    %31 = arith.mulf %28, %30 : vector<1280x768xf32>
    %32 = vector.shape_cast %31 : vector<1280x768xf32> to vector<1280x768xf32>
    vector.store %32, %arg4[%c0, %c0] : memref<1280x768xf32, #tpu.memory_space<vmem>>, vector<1280x768xf32>
    vector.store %5, %arg5[%c0, %c0] : memref<1280x1xf32, #tpu.memory_space<vmem>>, vector<1280x1xf32>
    vector.store %17, %arg6[%c0, %c0] : memref<1280x1xf32, #tpu.memory_space<vmem>>, vector<1280x1xf32>
    return
  }
  func.func @qk_fn(%arg0: i32, %arg1: i32) -> (i32, i32) {
    return %arg0, %arg1 : i32, i32
  }
  func.func @v_fn(%arg0: i32, %arg1: i32) -> (i32, i32) {
    %c0_i32 = arith.constant 0 : i32
    return %arg1, %c0_i32 : i32, i32
  }
  func.func @oi_fn(%arg0: i32, %arg1: i32) -> (i32, i32) {
    %c0_i32 = arith.constant 0 : i32
    return %arg0, %c0_i32 : i32, i32
  }
}

</mosaic_0001>

<sc_bundles>
// kernel: branch_1_fun.4.cloned.1.call-start
scs
__scs_entry_jumppad:
0x0: {  	(pc) =	sbr.rel $0x88, $3  }
0x1: {  	(tag) =	ssettag $0x0;
	lr =	simm.s32 $0x1  }
0x2: {  	[smem:$0x3F98] =	sst lr;
	_ =	strace $0xD0000000  }
0x3: {  	_ = 	snop  }
0x4: {  	_ = 	snop  }
0x5: {  	_ = 	snop  }
0x6: {  	_ = 	snop  }
0x7: {  	_ = 	snop  }
__scs_overlays_trampoline_lowered:
0x8: {  	[smem:$0x3FA7] =	sst s0  }
0x9: {  	[smem:$0x3FA8] =	sst s1  }
0xa: {  	[smem:$0x3FA9] =	sst s2  }
0xb: {  	[smem:$0x3FAA] =	sst s3  }
0xc: {  	[smem:$0x3FAB] =	sst s4  }
0xd: {  	[smem:$0x3FAC] =	sst s5  }
0xe: {  	[smem:$0x3FAD] =	sst s6  }
0xf: {  	[smem:$0x3FAE] =	sst s7  }
0x10: {  	[smem:$0x3FAF] =	sst s8  }
0x11: {  	[smem:$0x3FB0] =	sst s9;
	s0 =	simm.s32 @!p0 $0x0  }
0x12: {  	s1 =	sld [smem:$0x3F96];
	s0 =	simm.s32 @p0 $0x1  }
0x13: {  	[smem:$0x3FB1] =	sst s0;
	s0 =	simm.s32 @!p1 $0x0  }
0x14: {  	s2 =	sld [smem:$0x3F95];
	s0 =	simm.s32 @p1 $0x1  }
0x15: {  	[smem:$0x3FB2] =	sst s0;
	s0 =	simm.s32 @!p2 $0x0  }
0x16: {  	s3 =	sld [smem:$0x3FDB];
	s0 =	simm.s32 @p2 $0x1  }
0x17: {  	s4 =	simm.s32 $0x1BF5;
	[smem:$0x3FB4] =	sst s0  }
0x18: {  	s0 =	sld [smem:$0x3F97];
	_ =	swait.ge [sflag:s4], $0x0  }
0x19: {  	s7 =	sld [smem:$0x3F98]  }
0x1a: {  	s8 =	sadd.s32 $0xFFFFE003, lr  }
0x1b: {  	s9 =	sadd.s32 $0xFFFFFEF7, lr;
	s5 =	simm.s32 $0xFFFFFFFF;
	p2 =	slt.u32 s8, $0xFFFFF086  }
0x1c: {  	p1 =	slt.u32 s9, $0xF7A;
	s5 =	simm.s32 @!p2 $0x0  }
0x1d: {  	s5 =	simm.s32 @p1 $0x1;
	p0 =	seq.s32 s7, s2  }
0x1e: {  	s7 =	smul.u32 @!p0 $0xF7A, s2;
	p2 =	seq.s32 @!p0 s5, $0x0  }
0x1f: {  	s9 =	smul.u32 $0xF7A, s1;
	s8 =	simm.s32 @!p0 $0x1BF5;
	p2 =	por !p2, p0  }
0x20: {  	[sflag:s8] =	ssyncset.s32 @!p0 $0xFFFFF086;
	s6 =	sadd.s32 @!p0 s3, s7;
	s7 =	simm.s32 @!p0 $0x108  }
0x21: {  	s3 =	sadd.s32 s3, s9;
	s6 =	sadd.s32 @!p0 $0x88, s6;
	s7 =	simm.s32 @p2 $0x1082  }
0x22: {  	[simem:s7], [sflag:s8] =	dma.local @!p0 [hbm:s6], $0xF7A  }
0x23: {  	s9 =	sor.u32 $0xD0000000, s2;
	s6 =	simm.s32 $0x108;
	_ =	swait.ge @!p0 [sflag:s8], $0x0  }
0x24: {  	s3 =	sadd.s32 $0x88, s3;
	s6 =	simm.s32 @!p1 $0x1082;
	[sflag:s4] =	ssyncset.s32 $0xFFFFF086  }
0x25: {  	[simem:s6], [sflag:s4] =	dma.local [hbm:s3], $0xF7A  }
0x26: {  	[smem:$0x3F98] =	sst s1;
	(tag) =	ssettag s2;
	_ =	strace s9  }
0x27: {  	s1 =	sld [smem:$0x3FA8]  }
0x28: {  	s2 =	sld [smem:$0x3FA9]  }
0x29: {  	s4 =	sld [smem:$0x3FAB]  }
0x2a: {  	p0 =	seq.s32 s5, $0x0;
	s5 =	sld [smem:$0x3FAC]  }
0x2b: {  	s6 =	sld [smem:$0x3FAD]  }
0x2c: {  	s7 =	sld [smem:$0x3FAE]  }
0x2d: {  	s3 =	simm.s32 $0x108;
	s8 =	sld [smem:$0x3FAF]  }
0x2e: {  	s3 =	simm.s32 @!p0 $0x1082;
	s9 =	sld [smem:$0x3FB0]  }
0x2f: {  	lr =	sadd.s32 s0, s3;
	s0 =	sld [smem:$0x3FA7]  }
0x30: {  	s3 =	sld [smem:$0x3FAA]  }
0x31: {  	[smem:$0x3FB3] =	sst s10  }
0x32: {  	s10 =	sld [smem:$0x3FB1];
	_ =	sdelay $0x3  }
0x33: {  	p0 =	seq.s32 s10, $0x1;
	s10 =	sld [smem:$0x3FB3];
	_ =	sdelay $0x3  }
0x34: {  	[smem:$0x3FB3] =	sst s10  }
0x35: {  	s10 =	sld [smem:$0x3FB2];
	_ =	sdelay $0x3  }
0x36: {  	p1 =	seq.s32 s10, $0x1;
	s10 =	sld [smem:$0x3FB3];
	_ =	sdelay $0x3  }
0x37: {  	[smem:$0x3FB3] =	sst s10  }
0x38: {  	s10 =	sld [smem:$0x3FB4]  }
0x39: {  	_ = 	snop;
	(pc) =	sbr.ind lr, $3  }
0x3a: {  	_ = 	snop  }
0x3b: {  	_ = 	snop  }
0x3c: {  	p2 =	seq.s32 s10, $0x1;
	s10 =	sld [smem:$0x3FB3]  }
0x3d: {  	_ =	shalt  }
0x3e: {  	_ =	shalt  }
0x3f: {  	_ =	shalt  }
0x40: {  	_ =	shalt  }
0x41: {  	_ =	shalt  }
0x42: {  	_ =	shalt  }
0x43: {  	_ =	shalt  }
0x44: {  	_ =	shalt  }
0x45: {  	_ =	shalt  }
0x46: {  	_ =	shalt  }
0x47: {  	_ =	shalt  }
0x48: {  	_ =	shalt  }
0x49: {  	_ =	shalt  }
0x4a: {  	_ =	shalt  }
0x4b: {  	_ =	shalt  }
0x4c: {  	_ =	shalt  }
0x4d: {  	_ =	shalt  }
0x4e: {  	_ =	shalt  }
0x4f: {  	_ =	shalt  }
0x50: {  	_ =	shalt  }
0x51: {  	_ =	shalt  }
0x52: {  	_ =	shalt  }
0x53: {  	_ =	shalt  }
0x54: {  	_ =	shalt  }
0x55: {  	_ =	shalt  }
0x56: {  	_ =	shalt  }
0x57: {  	_ =	shalt  }
0x58: {  	_ =	shalt  }
0x59: {  	_ =	shalt  }
0x5a: {  	_ =	shalt  }
0x5b: {  	_ =	shalt  }
0x5c: {  	_ =	shalt  }
0x5d: {  	_ =	shalt  }
0x5e: {  	_ =	shalt  }
0x5f: {  	_ =	shalt  }
0x60: {  	_ =	shalt  }
0x61: {  	_ =	shalt  }
0x62: {  	_ =	shalt  }
0x63: {  	_ =	shalt  }
0x64: {  	_ =	shalt  }
0x65: {  	_ =	shalt  }
0x66: {  	_ =	shalt  }
0x67: {  	_ =	shalt  }
0x68: {  	_ =	shalt  }
0x69: {  	_ =	shalt  }
0x6a: {  	_ =	shalt  }
0x6b: {  	_ =	shalt  }
0x6c: {  	_ =	shalt  }
0x6d: {  	_ =	shalt  }
0x6e: {  	_ =	shalt  }
0x6f: {  	_ =	shalt  }
0x70: {  	_ =	shalt  }
0x71: {  	_ =	shalt  }
0x72: {  	_ =	shalt  }
0x73: {  	_ =	shalt  }
0x74: {  	_ =	shalt  }
0x75: {  	_ =	shalt  }
0x76: {  	_ =	shalt  }
0x77: {  	_ =	shalt  }
0x78: {  	_ =	shalt  }
0x79: {  	_ =	shalt  }
0x7a: {  	_ =	shalt  }
0x7b: {  	_ =	shalt  }
0x7c: {  	_ =	shalt  }
0x7d: {  	_ =	shalt  }
0x7e: {  	_ =	shalt  }
0x7f: {  	_ =	shalt  }
0x80: {  	_ =	shalt  }
0x81: {  	_ =	shalt  }
0x82: {  	_ =	shalt  }
0x83: {  	_ =	shalt  }
0x84: {  	_ =	shalt  }
0x85: {  	_ =	shalt  }
0x86: {  	_ =	shalt  }
0x87: {  	_ =	shalt  }
.Lfunc_end0:
.L_simem_size_0:
called_computation.2_lowered:
.L_overlay_start_0:
0x88: {  	s2 =	sld [smem:$0x3FD9]  }
0x89: {  	s3 =	sld [smem:$0x3FFE];
	_ =	sdelay $0x1  }
0x8a: {  	s1 =	srdreg.scid  }
0x8b: {  	s0 =	sand.u32 $0x1, s1  }
0x8c: {  	s14 =	sshll.u32 s0, $0xA;
	s2 =	sadd.s32 s3, s2  }
0x8d: {  	s2 =	sadd.s32 s2, s14  }
0x8e: {  	[smem:$0x3FBF] =	sst s2  }
0x8f: {  	_ = 	snop  }
0x90: {  	s2 =	sld [smem:$0x3FD0];
	_ =	sdelay $0x2  }
0x91: {  	s15 =	simm.s32 $0xA;
	s4 =	simm.s32 $0x10  }
0x92: {  	[smem:s4], [sflag:s15] =	dma.local [hbm:s2], $0x1  }
0x93: {  	_ =	swait.eq [sflag:s15], $0x1  }
0x94: {  	[sflag:s15] =	ssyncset.done $0x0  }
0x95: {  	s16 =	sld [smem:$0x10];
	[sflag:s15] =	ssyncadd.s32 $0xFFFFFFFF  }
0x96: {  	s17 =	sld [smem:$0x11];
	(tm) =	ssettm $0x1  }
0x97: {  	s18 =	sld [smem:$0x3FFB];
	_ =	sdelay $0x3  }
0x98: {  	_ =	strace s18  }
0x99: {  	s4 =	sld [smem:$0x3FFC];
	_ =	sdelay $0x3  }
0x9a: {  	_ =	strace s4  }
0x9b: {  	s4 =	sld [smem:$0x3FFD];
	_ =	sdelay $0x3  }
0x9c: {  	_ =	strace s4  }
0x9d: {  	_ =	strace $0x8FFFFFFF  }
0x9e: {  	s19 =	sld [smem:$0x3FDB];
	_ =	sdelay $0x1  }
0x9f: {  	s5 =	simm.s32 $_scs_section_size  }
0xa0: {  	s6 =	simm.s32 $_size__tile_overlayer_lowered;
	s7 =	simm.s32 $_tile_overlayer_lowered  }
0xa1: {  	s22 =	simm.s32 $0x1BFF;
	s21 =	sshll.u32 s7, $0x1;
	s4 =	sadd.s32 s5, s19  }
0xa2: {  	s8 =	simm.s32 $0x0;
	s20 =	sshll.u32 s6, $0x1;
	s6 =	sadd.s32 s21, s4  }
0xa3: {  	[timem:s8], [sflag:s22] =	dma.local [hbm:s6], s20  }
0xa4: {  	_ =	swait.ge [sflag:s22], s20  }
0xa5: {  	s5 =	ssub.s32 $0x0, s20;
	[sflag:s22] =	ssyncset.done $0x0  }
0xa6: {  	[sflag:s22] =	ssyncadd.s32 s5;
	_ =	sdelay $0x1  }
0xa7: {  	s23 =	simm.s32 $0x1B8B  }
0xa8: {  	_ =	swait.ge [sflag:s23], $0x1  }
0xa9: {  	[sflag:s23] =	ssyncset.done $0x0  }
0xaa: {  	s25 =	simm.s32 $0x1B8E;
	s24 =	sld [smem:$0x3FFE];
	[sflag:s23] =	ssyncadd.s32 $0xFFFFFFFF  }
0xab: {  	s26 =	simm.s32 $execute0_lowered;
	[smem:$0x3FD2] =	sst s25  }
0xac: {  	s6 =	sshll.u32 s26, $0x1;
	_ =	strace $0x8000004F;
	[dreg:$0x1] =	wrdreg $0xFFFFFFFF  }
0xad: {  	s28 =	simm.s32 $_size_execute0_lowered;
	s4 =	sadd.s32 s4, s6;
	[dreg:$0x0] =	wrdreg $0x0  }
0xae: {  	s6 =	sshll.u32 s28, $0x1;
	[dreg:$0x2] =	wrdreg s4  }
0xaf: {  	[dreg:$0x3] =	wrdreg s6  }
0xb0: {  	[dreg:$0x4] =	wrdreg $0xC0  }
0xb1: {  	_ =	task [dreg:s8], $0x5FFFF  }
0xb2: {  	[dreg:$0x1] =	wrdreg $0xFFFFFFFF  }
0xb3: {  	[dreg:$0x0] =	wrdreg $0x60  }
0xb4: {  	[dreg:$0x2] =	wrdreg s24  }
0xb5: {  	[dreg:$0x3] =	wrdreg s17  }
0xb6: {  	[dreg:$0x4] =	wrdreg s16  }
0xb7: {  	[dreg:$0x5] =	wrdreg $0x9  }
0xb8: {  	_ =	task.clear_ibuf [dreg:s8], $0x6FFFF;
	_ =	strace $0x9000004F  }
0xb9: {  	s29 =	simm.s32 $0x9;
	_ =	strace $0x80000051  }
0xba: {  	_ =	swait.ge [sflag:s29], $0x1  }
0xbb: {  	[sflag:s29] =	ssyncadd.s32 $0xFFFFFFFF  }
0xbc: {  	_ =	strace $0x90000051  }
0xbd: {  	_ =	sfence  }
0xbe: {  	s30 =	sld [smem:$0x0];
	_ =	sdelay $0x2  }
0xbf: {  	s31 =	sshll.u32 s1, $0xD;
	s1 =	sshrl.u32 s1, $0x2  }
0xc0: {  	s3 =	sand.u32 $0x4000, s31;
	s1 =	sadd.s32 s1, s30  }
0xc1: {  	s0 =	sor.u32 s3, s0;
	s1 =	sshll.u32 s1, $0x11  }
0xc2: {  	s0 =	sor.u32 s1, s0  }
0xc3: {  	s0 =	sadd.s32 $0x8F2B, s0  }
0xc4: {  	[sflag:s0] =	ssyncadd.remote.s32 $0x1  }
0xc5: {  	_ =	sfence.sel $0xFFFF  }
0xc6: {  	[dreg:$0x0] =	wrdreg $0xFFFFFFFF;
	(pc) =	sbr.abs _section_cstart, $3  }
0xc7: {  	[dreg:$0x1] =	wrdreg $0xFFFFFFFF  }
0xc8: {  	_ =	task.clear_ibuf [dreg:s8], $0x2FFFF;
	_ =	strace $0x9FFFFFFF  }
0xc9: {  	(tm) =	ssettm $0x7FFFFFFF  }
tec
execute0_lowered:
.L_overlay_start_1:
0x0: {  	(tag) =	ssettag $0x1  }
0x1: {  	s1 =	rddreg [dreg:$0x0]  }
0x2: {  	s2 =	rddreg [dreg:$0x1]  }
0x3: {  	s3 =	rddreg [dreg:$0x2]  }
0x4: {  	s4 =	srdreg.scid;
	s0 =	rddreg [dreg:$0x3];
	_ =	strace $0x80000050  }
0x5: {  	s5 =	stileid.u32;
	s12 =	simm.s32 $0x1;
	s13 =	simm.s32 $0x5080  }
0x6: {  	s14 =	simm.s32 $0x5100;
	s15 =	simm.s32 $0x5480;
	s16 =	simm.s32 $0x5500  }
0x7: {  	s17 =	simm.s32 $0x5D00;
	s10 =	sand.u32 $0x1, s4;
	s4 =	sadd.s32 $0x400, s1  }
0x8: {  	s6 =	sadd.s32 $0xE00, s1;
	s7 =	sadd.s32 $0x12800, s1;
	s9 =	ssub.s32 $0x2, s10  }
0x9: {  	s8 =	sadd.s32 $0x200, s1;
	s18 =	sor.u32 s5, s10;
	s11 =	sshrl.u32 s9, $0x1  }
0xa: {  	p0 =	sne.s32 s18, $0x0;
	s18 =	simm.s32 $0x0;
	s11 =	ssub.s32 s9, s11  }
0xb: {  	v0 =	vlaneseq.u32;
	vm0 =	vmxor vm0, vm0;
	vm1 =	vmmov $0x1;
	s9 =	sadd.s32 $0x12A00, s1;
	s10 =	smax.u32 s11, $0x1;
	s11 =	simm.s32 $0x0  }
.LBB2_1:
0xc: {  	[tilespmem:s11], [sflag:$0x1] =	stream.linear.gather [hbm4b:s4+s11], $0x5000, $0x38;
	[tilespmem:$0x6500] =	vst v63  }
0xd: {  	_ =	swait.ge [sflag:s12], $0x5000  }
0xe: {  	[sflag:s12] =	ssyncset.done $0x0  }
0xf: {  	[sflag:s12] =	ssyncadd.s32 $0xFFFFB000  }
0x10: {  	[tilespmem:s13], [sflag:$0x1] =	stream.linear.gather [hbm4b:s6+s11], $0x80, $0x38;
	[tilespmem:$0x6500] =	vst v63  }
0x11: {  	_ =	swait.ge [sflag:s12], $0x80  }
0x12: {  	[sflag:s12] =	ssyncset.done $0x0  }
0x13: {  	[sflag:s12] =	ssyncadd.s32 $0xFFFFFF80  }
0x14: {  	[tilespmem:s14], [sflag:$0x1] =	stream.linear.gather [hbm4b:s2+s11], $0x380, $0x38;
	[tilespmem:$0x6500] =	vst v63  }
0x15: {  	_ =	swait.ge [sflag:s12], $0x380  }
0x16: {  	[sflag:s12] =	ssyncset.done $0x0  }
0x17: {  	[sflag:s12] =	ssyncadd.s32 $0xFFFFFC80  }
0x18: {  	[tilespmem:s15], [sflag:$0x1] =	stream.linear.gather [hbm4b:s7+s11], $0x80, $0x38;
	[tilespmem:$0x6500] =	vst v63  }
0x19: {  	_ =	swait.ge [sflag:s12], $0x80  }
0x1a: {  	[sflag:s12] =	ssyncset.done $0x0  }
0x1b: {  	[sflag:s12] =	ssyncadd.s32 $0xFFFFFF80  }
0x1c: {  	[tilespmem:s16], [sflag:$0x1] =	stream.linear.gather [hbm4b:s1+s11], $0x800, $0x38;
	[tilespmem:$0x6500] =	vst v63  }
0x1d: {  	_ =	swait.ge [sflag:s12], $0x800  }
0x1e: {  	[sflag:s12] =	ssyncset.done $0x0  }
0x1f: {  	[sflag:s12] =	ssyncadd.s32 $0xFFFFF800  }
0x20: {  	[tilespmem:s17], [sflag:$0x1] =	stream.linear.gather [hbm4b:s8+s11], $0x800, $0x38;
	[tilespmem:$0x6500] =	vst v63  }
0x21: {  	_ =	swait.ge [sflag:s12], $0x800  }
0x22: {  	[sflag:s12] =	ssyncset.done $0x0  }
0x23: {  	[sflag:s12] =	ssyncadd.s32 $0xFFFFF800  }
0x24: {  	v1 =	vld [tilespmem:$0x5480]  }
0x25: {  	v2 =	vld [tilespmem:$0x5080];
	_ =	sdelay $0x3  }
0x26: {  	(v2sf) =	vpush v1, $0x0  }
0x27: {  	(v2sf) =	vpush v2, $0x0;
	_ =	sdelay $0xd  }
0x28: {  	s22 =	spop (v2sf)  }
0x29: {  	s20 =	simm.s32 $0x600;
	s21 =	simm.s32 $0x603;
	s19 =	spop (v2sf)  }
.LBB2_2:
0x2a: {  	v1 =	vld [tilespmem:s21+$0xFFFFFFFD];
	_ =	sdelay $0x4  }
0x2b: {  	(v2sf) =	vpush v1, $0x0;
	_ =	sdelay $0xe  }
0x2c: {  	s23 =	spop (v2sf)  }
0x2d: {  	s24 =	sshra.s32 s23, $0xC  }
0x2e: {  	v1 =	vadd.s32 s24, v0  }
0x2f: {  	vm2 =	vlt.s32 v1, $0x7FF  }
0x30: {  	v2 =	vnsel vm2, $0x7FF, v1;
	_ =	sdelay $0x4  }
0x31: {  	v3 =	vld.idx.msk [tilespmem:v2+s16+$0x0], $0xffff  }
0x32: {  	v2 =	vld.idx.msk [tilespmem:v2+s17+$0x0], $0xffff;
	_ =	sdelay $0x2  }
0x33: {  	s23 =	sand.u32 $0xFFF, s23  }
0x34: {  	vm2 =	vgt.s32 v1, s24;
	vm3 =	vgt.s32 v3, s23  }
0x35: {  	vm4 =	vlt.s32 v2, s24;
	vm2 =	vmand vm2, vm3;
	vm3 =	vlt.s32 v1, s23  }
0x36: {  	vm5 =	vle.s32 v1, s23;
	vm14 =	vgt.s32 v2, $0xFFFFFFFF;
	vm3 =	vmand vm3, vm4  }
0x37: {  	vm2 =	vmand vm2, vm5;
	vm3 =	vmand vm3, vm14  }
0x38: {  	vm2 =	vmor vm2, vm3  }
0x39: {  	v1 =	vmpcnt.ones.xlane vm2;
	_ =	sdelay $0x1  }
0x3a: {  	(v2sf) =	vpush v1, $0x0;
	_ =	sdelay $0x7  }
0x3b: {  	(v2sf) =	vpush v3, $0x0;
	_ =	sdelay $0x5  }
0x3c: {  	p1 =	slt.s32 s22, $0x333;
	p2 =	slt.s32 s20, s19  }
0x3d: {  	p1 =	por !p1, !p2;
	s25 =	spop (v2sf)  }
0x3e: {  	p1 =	por !p1, !p1;
	p6 =	seq.s32 s25, $0x0  }
0x3f: {  	p1 =	por !p1, !p6  }
0x40: {  	vm2 =	vmmov vm0;
	p1 =	por !p1, !p1  }
0x41: {  	vm2 =	vmneg @p1 vm2  }
0x42: {  	s30 =	smin.u32 s23, $0x7FF;
	vm2 =	vmand vm2, vm1  }
0x43: {  	v2 =	vmov s22;
	v1 =	vmov s30  }
0x44: {  	s31 =	smul.u32 $0x9, s24;
	v3 =	vmov s24;
	v1 =	vbroadcast v1, $0x0  }
0x45: {  	s26 =	spop (v2sf)  }
0x46: {  	s25 =	sadd.s32 s23, s31;
	p2 =	sgt.s32 s26, s23  }
0x47: {  	v4 =	vmov s25;
	s23 =	smov.u32 @p2 s26  }
0x48: {  	[tilespmem:v2+s14+$0x0] =	vst.idx.msk vm2, v4;
	v2 =	vmov s23  }
0x49: {  	[tilespmem:v3+s16+$0x0] =	vst.idx.msk vm2, v2  }
0x4a: {  	v2 =	vld.idx.msk [tilespmem:v1+s17+$0x0], $0xffff;
	_ =	sdelay $0x4  }
0x4b: {  	(v2sf) =	vpush v2, $0x0;
	_ =	sdelay $0xe  }
0x4c: {  	s23 =	spop (v2sf)  }
0x4d: {  	p3 =	slt.s32 s24, s23  }
0x4e: {  	p2 =	seq.s32 s23, $0xFFFFFFFF;
	s23 =	smov.u32 @p3 s24  }
0x4f: {  	s23 =	smov.u32 @p2 s24  }
0x50: {  	v2 =	vmov s23  }
0x51: {  	[tilespmem:v1+s17+$0x0] =	vst.idx.msk vm2, v2  }
0x52: {  	v1 =	vld [tilespmem:s21+$0xFFFFFFFE];
	_ =	sdelay $0x4  }
0x53: {  	(v2sf) =	vpush v1, $0x0;
	_ =	sdelay $0xe  }
0x54: {  	s26 =	spop (v2sf)  }
0x55: {  	s24 =	sshra.s32 s26, $0xC  }
0x56: {  	v1 =	vadd.s32 s24, v0  }
0x57: {  	vm2 =	vlt.s32 v1, $0x7FF  }
0x58: {  	v2 =	vnsel vm2, $0x7FF, v1;
	_ =	sdelay $0x4  }
0x59: {  	v3 =	vld.idx.msk [tilespmem:v2+s16+$0x0], $0xffff  }
0x5a: {  	v2 =	vld.idx.msk [tilespmem:v2+s17+$0x0], $0xffff;
	_ =	sdelay $0x2  }
0x5b: {  	s23 =	sand.u32 $0xFFF, s26  }
0x5c: {  	vm2 =	vgt.s32 v1, s24;
	vm3 =	vgt.s32 v3, s23  }
0x5d: {  	vm15 =	vlt.s32 v2, s24;
	vm2 =	vmand vm2, vm3;
	vm3 =	vlt.s32 v1, s23  }
0x5e: {  	vm8 =	vle.s32 v1, s23;
	vm9 =	vgt.s32 v2, $0xFFFFFFFF;
	vm3 =	vmand vm3, vm15  }
0x5f: {  	vm2 =	vmand vm2, vm8;
	vm3 =	vmand vm3, vm9  }
0x60: {  	vm2 =	vmor vm2, vm3  }
0x61: {  	v1 =	vmpcnt.ones.xlane vm2;
	_ =	sdelay $0x1  }
0x62: {  	(v2sf) =	vpush v1, $0x0;
	_ =	sdelay $0x7  }
0x63: {  	(v2sf) =	vpush v3, $0x0;
	_ =	sdelay $0x2  }
0x64: {  	s25 =	simm.s32 $0x1  }
0x65: {  	s25 =	simm.s32 @!p1 $0x0  }
0x66: {  	s28 =	sadd.s32 $0x1, s20;
	s22 =	sadd.s32 s25, s22  }
0x67: {  	p3 =	slt.s32 s28, s19;
	p2 =	slt.s32 s22, $0x333  }
0x68: {  	p1 =	por !p2, !p3;
	s29 =	spop (v2sf)  }
0x69: {  	p1 =	por !p1, !p1;
	p4 =	seq.s32 s29, $0x0  }
0x6a: {  	p1 =	por !p1, !p4  }
0x6b: {  	vm2 =	vmmov vm0;
	p1 =	por !p1, !p1  }
0x6c: {  	vm2 =	vmneg @p1 vm2  }
0x6d: {  	s30 =	smin.u32 s23, $0x7FF;
	vm2 =	vmand vm2, vm1  }
0x6e: {  	v2 =	vmov s22;
	v1 =	vmov s30  }
0x6f: {  	s31 =	smul.u32 $0x9, s24;
	v3 =	vmov s24;
	v1 =	vbroadcast v1, $0x0  }
0x70: {  	s26 =	spop (v2sf)  }
0x71: {  	s25 =	sadd.s32 s23, s31;
	p2 =	sgt.s32 s26, s23  }
0x72: {  	v61 =	vmov s25;
	s23 =	smov.u32 @p2 s26  }
0x73: {  	[tilespmem:v2+s14+$0x0] =	vst.idx.msk vm2, v61;
	v2 =	vmov s23  }
0x74: {  	[tilespmem:v3+s16+$0x0] =	vst.idx.msk vm2, v2  }
0x75: {  	v2 =	vld.idx.msk [tilespmem:v1+s17+$0x0], $0xffff;
	_ =	sdelay $0x4  }
0x76: {  	(v2sf) =	vpush v2, $0x0;
	_ =	sdelay $0xe  }
0x77: {  	s23 =	spop (v2sf)  }
0x78: {  	p3 =	slt.s32 s24, s23  }
0x79: {  	p2 =	seq.s32 s23, $0xFFFFFFFF;
	s23 =	smov.u32 @p3 s24  }
0x7a: {  	s23 =	smov.u32 @p2 s24  }
0x7b: {  	v2 =	vmov s23  }
0x7c: {  	[tilespmem:v1+s17+$0x0] =	vst.idx.msk vm2, v2  }
0x7d: {  	v1 =	vld [tilespmem:s21+$0xFFFFFFFF];
	_ =	sdelay $0x4  }
0x7e: {  	(v2sf) =	vpush v1, $0x0;
	_ =	sdelay $0xe  }
0x7f: {  	s26 =	spop (v2sf)  }
0x80: {  	s24 =	sshra.s32 s26, $0xC  }
0x81: {  	v1 =	vadd.s32 s24, v0  }
0x82: {  	vm2 =	vlt.s32 v1, $0x7FF  }
0x83: {  	v2 =	vnsel vm2, $0x7FF, v1;
	_ =	sdelay $0x4  }
0x84: {  	v3 =	vld.idx.msk [tilespmem:v2+s16+$0x0], $0xffff  }
0x85: {  	v2 =	vld.idx.msk [tilespmem:v2+s17+$0x0], $0xffff;
	_ =	sdelay $0x2  }
0x86: {  	s23 =	sand.u32 $0xFFF, s26  }
0x87: {  	vm2 =	vgt.s32 v1, s24;
	vm3 =	vgt.s32 v3, s23  }
0x88: {  	vm10 =	vlt.s32 v2, s24;
	vm2 =	vmand vm2, vm3;
	vm3 =	vlt.s32 v1, s23  }
0x89: {  	vm11 =	vle.s32 v1, s23;
	vm12 =	vgt.s32 v2, $0xFFFFFFFF;
	vm3 =	vmand vm3, vm10  }
0x8a: {  	vm2 =	vmand vm2, vm11;
	vm3 =	vmand vm3, vm12  }
0x8b: {  	vm2 =	vmor vm2, vm3  }
0x8c: {  	v1 =	vmpcnt.ones.xlane vm2;
	_ =	sdelay $0x1  }
0x8d: {  	(v2sf) =	vpush v1, $0x0;
	_ =	sdelay $0x7  }
0x8e: {  	(v2sf) =	vpush v3, $0x0;
	_ =	sdelay $0x2  }
0x8f: {  	s25 =	simm.s32 $0x1  }
0x90: {  	s25 =	simm.s32 @!p1 $0x0  }
0x91: {  	s28 =	sadd.s32 $0x2, s20;
	s22 =	sadd.s32 s25, s22  }
0x92: {  	p6 =	slt.s32 s28, s19;
	p5 =	slt.s32 s22, $0x333  }
0x93: {  	p1 =	por !p5, !p6;
	s29 =	spop (v2sf)  }
0x94: {  	p1 =	por !p1, !p1;
	p3 =	seq.s32 s29, $0x0  }
0x95: {  	p1 =	por !p1, !p3  }
0x96: {  	vm2 =	vmmov vm0;
	p1 =	por !p1, !p1  }
0x97: {  	vm2 =	vmneg @p1 vm2  }
0x98: {  	s30 =	smin.u32 s23, $0x7FF;
	vm2 =	vmand vm2, vm1  }
0x99: {  	v2 =	vmov s22;
	v1 =	vmov s30  }
0x9a: {  	s31 =	smul.u32 $0x9, s24;
	v3 =	vmov s24;
	v1 =	vbroadcast v1, $0x0  }
0x9b: {  	s26 =	spop (v2sf)  }
0x9c: {  	s25 =	sadd.s32 s23, s31;
	p2 =	sgt.s32 s26, s23  }
0x9d: {  	v62 =	vmov s25;
	s23 =	smov.u32 @p2 s26  }
0x9e: {  	[tilespmem:v2+s14+$0x0] =	vst.idx.msk vm2, v62;
	v2 =	vmov s23  }
0x9f: {  	[tilespmem:v3+s16+$0x0] =	vst.idx.msk vm2, v2  }
0xa0: {  	v2 =	vld.idx.msk [tilespmem:v1+s17+$0x0], $0xffff;
	_ =	sdelay $0x4  }
0xa1: {  	(v2sf) =	vpush v2, $0x0;
	_ =	sdelay $0xe  }
0xa2: {  	s23 =	spop (v2sf)  }
0xa3: {  	p3 =	slt.s32 s24, s23  }
0xa4: {  	p2 =	seq.s32 s23, $0xFFFFFFFF;
	s23 =	smov.u32 @p3 s24  }
0xa5: {  	s23 =	smov.u32 @p2 s24  }
0xa6: {  	v2 =	vmov s23  }
0xa7: {  	[tilespmem:v1+s17+$0x0] =	vst.idx.msk vm2, v2  }
0xa8: {  	v1 =	vld [tilespmem:s21+$0x0];
	_ =	sdelay $0x4  }
0xa9: {  	(v2sf) =	vpush v1, $0x0;
	_ =	sdelay $0xe  }
0xaa: {  	s26 =	spop (v2sf)  }
0xab: {  	s24 =	sshra.s32 s26, $0xC  }
0xac: {  	v1 =	vadd.s32 s24, v0  }
0xad: {  	vm2 =	vlt.s32 v1, $0x7FF  }
0xae: {  	v2 =	vnsel vm2, $0x7FF, v1;
	_ =	sdelay $0x4  }
0xaf: {  	v3 =	vld.idx.msk [tilespmem:v2+s16+$0x0], $0xffff  }
0xb0: {  	v2 =	vld.idx.msk [tilespmem:v2+s17+$0x0], $0xffff;
	_ =	sdelay $0x2  }
0xb1: {  	s23 =	sand.u32 $0xFFF, s26  }
0xb2: {  	vm2 =	vgt.s32 v1, s24;
	vm3 =	vgt.s32 v3, s23  }
0xb3: {  	vm13 =	vlt.s32 v2, s24;
	vm2 =	vmand vm2, vm3;
	vm3 =	vlt.s32 v1, s23  }
0xb4: {  	vm14 =	vle.s32 v1, s23;
	vm15 =	vgt.s32 v2, $0xFFFFFFFF;
	vm3 =	vmand vm3, vm13  }
0xb5: {  	vm2 =	vmand vm2, vm14;
	vm3 =	vmand vm3, vm15  }
0xb6: {  	vm2 =	vmor vm2, vm3  }
0xb7: {  	v1 =	vmpcnt.ones.xlane vm2;
	_ =	sdelay $0x1  }
0xb8: {  	(v2sf) =	vpush v1, $0x0;
	_ =	sdelay $0x7  }
0xb9: {  	(v2sf) =	vpush v3, $0x0;
	_ =	sdelay $0x2  }
0xba: {  	s25 =	simm.s32 $0x1  }
0xbb: {  	s25 =	simm.s32 @!p1 $0x0  }
0xbc: {  	s28 =	sadd.s32 $0x3, s20;
	s22 =	sadd.s32 s25, s22  }
0xbd: {  	p5 =	slt.s32 s28, s19;
	p4 =	slt.s32 s22, $0x333  }
0xbe: {  	p1 =	por !p4, !p5;
	s29 =	spop (v2sf)  }
0xbf: {  	p1 =	por !p1, !p1;
	p6 =	seq.s32 s29, $0x0  }
0xc0: {  	p1 =	por !p1, !p6  }
0xc1: {  	vm2 =	vmmov vm0;
	p1 =	por !p1, !p1  }
0xc2: {  	vm2 =	vmneg @p1 vm2  }
0xc3: {  	s30 =	smin.u32 s23, $0x7FF;
	vm2 =	vmand vm2, vm1  }
0xc4: {  	v2 =	vmov s22;
	v1 =	vmov s30  }
0xc5: {  	s31 =	smul.u32 $0x9, s24;
	v3 =	vmov s24;
	v1 =	vbroadcast v1, $0x0  }
0xc6: {  	s26 =	spop (v2sf)  }
0xc7: {  	s25 =	sadd.s32 s23, s31;
	p2 =	sgt.s32 s26, s23  }
0xc8: {  	v63 =	vmov s25;
	s23 =	smov.u32 @p2 s26  }
0xc9: {  	[tilespmem:v2+s14+$0x0] =	vst.idx.msk vm2, v63;
	v2 =	vmov s23  }
0xca: {  	[tilespmem:v3+s16+$0x0] =	vst.idx.msk vm2, v2  }
0xcb: {  	v2 =	vld.idx.msk [tilespmem:v1+s17+$0x0], $0xffff;
	_ =	sdelay $0x4  }
0xcc: {  	(v2sf) =	vpush v2, $0x0;
	_ =	sdelay $0xe  }
0xcd: {  	s23 =	spop (v2sf)  }
0xce: {  	p3 =	slt.s32 s24, s23  }
0xcf: {  	p2 =	seq.s32 s23, $0xFFFFFFFF;
	s23 =	smov.u32 @p3 s24  }
0xd0: {  	s23 =	smov.u32 @p2 s24;
	s24 =	simm.s32 $0x1  }
0xd1: {  	s24 =	simm.s32 @!p1 $0x0;
	p1 =	slt.u32 s20, $0x4FFC  }
.Ltmp0:
0xd2: {  	_ = 	snop;
	(pc) =	sbr.rel @p1 .LBB2_2-.Ltmp0, $3  }
0xd3: {  	_ =	sdelay $0x1  }
0xd4: {  	v2 =	vmov s23  }
0xd5: {  	s21 =	sadd.s32 $0x4, s21;
	s20 =	sadd.s32 $0x4, s20;
	[tilespmem:v1+s17+$0x0] =	vst.idx.msk vm2, v2;
	s22 =	sadd.s32 s24, s22  }
0xd6: {  	v1 =	vmov s22  }
0xd7: {  	s19 =	simm.s32 @!p0 $0x0;
	s20 =	simm.s32 @!p0 $0x5100;
	[tilespmem:$0x5480] =	vst v1  }
0xd8: {  	[hbm4b:s3+s19] =	stream.linear.scatter @!p0 [tilespmem:s20], [sflag:$0x1], $0x380, $0x38;
	[tilespmem:$0x6500] =	vst v63  }
0xd9: {  	s20 =	simm.s32 @!p0 $0x1  }
0xda: {  	s18 =	sadd.s32 $0x1, s18;
	_ =	swait.ge @!p0 [sflag:s20], $0x380  }
0xdb: {  	p1 =	sne.s32 s18, s10;
	[sflag:s20] =	ssyncset.done @!p0 $0x0  }
.Ltmp1:
0xdc: {  	s21 =	simm.s32 @!p0 $0x5480;
	[sflag:s20] =	ssyncadd.s32 @!p0 $0xFFFFFC80;
	(pc) =	sbr.rel @p1 .LBB2_1-.Ltmp1, $4  }
0xdd: {  	[hbm4b:s9+s19] =	stream.linear.scatter @!p0 [tilespmem:s21], [sflag:$0x1], $0x80, $0x38;
	[tilespmem:$0x6500] =	vst v63  }
0xde: {  	_ =	swait.ge @!p0 [sflag:s20], $0x80  }
0xdf: {  	[sflag:s20] =	ssyncset.done @!p0 $0x0  }
0xe0: {  	[sflag:s20] =	ssyncadd.s32 @!p0 $0xFFFFFF80  }
0xe1: {  	_ =	sfence.sel $0x180000  }
0xe2: {  	[bflag:$0x0] =	sbarrier.arrive $0xFFFF  }
0xe3: {  	p0 =	sne.s32 s5, $0x0;
	_ =	strace $0x90000050  }
0xe4: {  	s0 =	sadd.s32 @!p0 $0x100000, s0;
	[bflag:$0x2] =	sbarrier.arrive $0xFFFF  }
0xe5: {  	[sflag:s0] =	ssyncadd.tile.s32 @!p0 $0x1;
	_ =	shalt  }
.Lfunc_end2:
_tile_overlayer_lowered:
.L_overlay_start_2:
0xe6: {  	(tag) =	ssettag $0x2  }
0xe7: {  	s0 =	rddreg [dreg:$0x0];
	s2 =	stileid.u32  }
0xe8: {  	s1 =	rddreg [dreg:$0x1];
	p0 =	sne.s32 s2, $0x0  }
0xe9: {  	s3 =	rddreg [dreg:$0x2];
	[bflag:$0x3] =	sbarrier.arrive $0xFFFF;
	s2 =	simm.s32 @!p0 $0x1C01  }
0xea: {  	[timem:s3], [sflag:s2] =	dma.local @!p0 [hbm:s0], s1  }
0xeb: {  	s0 =	simm.s32 @!p0 $0x1  }
0xec: {  	_ =	swait.ge @!p0 [sflag:s0], s1  }
0xed: {  	s1 =	ssub.s32 @!p0 $0x0, s1;
	[sflag:s0] =	ssyncset.done @!p0 $0x0  }
0xee: {  	[sflag:s0] =	ssyncadd.s32 @!p0 s1  }
0xef: {  	[bflag:$0x3] =	sbarrier.arrive $0xFFFF  }
0xf0: {  	_ =	shalt  }

// kernel: gather_offload_async_start.1
scs
__scs_entry_jumppad:
0x0: {  	(pc) =	sbr.rel $0x88, $3  }
0x1: {  	(tag) =	ssettag $0x0;
	lr =	simm.s32 $0x1  }
0x2: {  	[smem:$0x3F98] =	sst lr;
	_ =	strace $0xD0000000  }
0x3: {  	_ = 	snop  }
0x4: {  	_ = 	snop  }
0x5: {  	_ = 	snop  }
0x6: {  	_ = 	snop  }
0x7: {  	_ = 	snop  }
__scs_overlays_trampoline_lowered:
0x8: {  	[smem:$0x3FA7] =	sst s0  }
0x9: {  	[smem:$0x3FA8] =	sst s1  }
0xa: {  	[smem:$0x3FA9] =	sst s2  }
0xb: {  	[smem:$0x3FAA] =	sst s3  }
0xc: {  	[smem:$0x3FAB] =	sst s4  }
0xd: {  	[smem:$0x3FAC] =	sst s5  }
0xe: {  	[smem:$0x3FAD] =	sst s6  }
0xf: {  	[smem:$0x3FAE] =	sst s7  }
0x10: {  	[smem:$0x3FAF] =	sst s8  }
0x11: {  	[smem:$0x3FB0] =	sst s9;
	s0 =	simm.s32 @!p0 $0x0  }
0x12: {  	s1 =	sld [smem:$0x3F96];
	s0 =	simm.s32 @p0 $0x1  }
0x13: {  	[smem:$0x3FB1] =	sst s0;
	s0 =	simm.s32 @!p1 $0x0  }
0x14: {  	s2 =	sld [smem:$0x3F95];
	s0 =	simm.s32 @p1 $0x1  }
0x15: {  	[smem:$0x3FB2] =	sst s0;
	s0 =	simm.s32 @!p2 $0x0  }
0x16: {  	s3 =	sld [smem:$0x3FDB];
	s0 =	simm.s32 @p2 $0x1  }
0x17: {  	s4 =	simm.s32 $0x1BF5;
	[smem:$0x3FB4] =	sst s0  }
0x18: {  	s0 =	sld [smem:$0x3F97];
	_ =	swait.ge [sflag:s4], $0x0  }
0x19: {  	s7 =	sld [smem:$0x3F98]  }
0x1a: {  	s8 =	sadd.s32 $0xFFFFE003, lr  }
0x1b: {  	s9 =	sadd.s32 $0xFFFFFEF7, lr;
	s5 =	simm.s32 $0xFFFFFFFF;
	p2 =	slt.u32 s8, $0xFFFFF086  }
0x1c: {  	p1 =	slt.u32 s9, $0xF7A;
	s5 =	simm.s32 @!p2 $0x0  }
0x1d: {  	s5 =	simm.s32 @p1 $0x1;
	p0 =	seq.s32 s7, s2  }
0x1e: {  	s7 =	smul.u32 @!p0 $0xF7A, s2;
	p2 =	seq.s32 @!p0 s5, $0x0  }
0x1f: {  	s9 =	smul.u32 $0xF7A, s1;
	s8 =	simm.s32 @!p0 $0x1BF5;
	p2 =	por !p2, p0  }
0x20: {  	[sflag:s8] =	ssyncset.s32 @!p0 $0xFFFFF086;
	s6 =	sadd.s32 @!p0 s3, s7;
	s7 =	simm.s32 @!p0 $0x108  }
0x21: {  	s3 =	sadd.s32 s3, s9;
	s6 =	sadd.s32 @!p0 $0x88, s6;
	s7 =	simm.s32 @p2 $0x1082  }
0x22: {  	[simem:s7], [sflag:s8] =	dma.local @!p0 [hbm:s6], $0xF7A  }
0x23: {  	s9 =	sor.u32 $0xD0000000, s2;
	s6 =	simm.s32 $0x108;
	_ =	swait.ge @!p0 [sflag:s8], $0x0  }
0x24: {  	s3 =	sadd.s32 $0x88, s3;
	s6 =	simm.s32 @!p1 $0x1082;
	[sflag:s4] =	ssyncset.s32 $0xFFFFF086  }
0x25: {  	[simem:s6], [sflag:s4] =	dma.local [hbm:s3], $0xF7A  }
0x26: {  	[smem:$0x3F98] =	sst s1;
	(tag) =	ssettag s2;
	_ =	strace s9  }
0x27: {  	s1 =	sld [smem:$0x3FA8]  }
0x28: {  	s2 =	sld [smem:$0x3FA9]  }
0x29: {  	s4 =	sld [smem:$0x3FAB]  }
0x2a: {  	p0 =	seq.s32 s5, $0x0;
	s5 =	sld [smem:$0x3FAC]  }
0x2b: {  	s6 =	sld [smem:$0x3FAD]  }
0x2c: {  	s7 =	sld [smem:$0x3FAE]  }
0x2d: {  	s3 =	simm.s32 $0x108;
	s8 =	sld [smem:$0x3FAF]  }
0x2e: {  	s3 =	simm.s32 @!p0 $0x1082;
	s9 =	sld [smem:$0x3FB0]  }
0x2f: {  	lr =	sadd.s32 s0, s3;
	s0 =	sld [smem:$0x3FA7]  }
0x30: {  	s3 =	sld [smem:$0x3FAA]  }
0x31: {  	[smem:$0x3FB3] =	sst s10  }
0x32: {  	s10 =	sld [smem:$0x3FB1];
	_ =	sdelay $0x3  }
0x33: {  	p0 =	seq.s32 s10, $0x1;
	s10 =	sld [smem:$0x3FB3];
	_ =	sdelay $0x3  }
0x34: {  	[smem:$0x3FB3] =	sst s10  }
0x35: {  	s10 =	sld [smem:$0x3FB2];
	_ =	sdelay $0x3  }
0x36: {  	p1 =	seq.s32 s10, $0x1;
	s10 =	sld [smem:$0x3FB3];
	_ =	sdelay $0x3  }
0x37: {  	[smem:$0x3FB3] =	sst s10  }
0x38: {  	s10 =	sld [smem:$0x3FB4]  }
0x39: {  	_ = 	snop;
	(pc) =	sbr.ind lr, $3  }
0x3a: {  	_ = 	snop  }
0x3b: {  	_ = 	snop  }
0x3c: {  	p2 =	seq.s32 s10, $0x1;
	s10 =	sld [smem:$0x3FB3]  }
0x3d: {  	_ =	shalt  }
0x3e: {  	_ =	shalt  }
0x3f: {  	_ =	shalt  }
0x40: {  	_ =	shalt  }
0x41: {  	_ =	shalt  }
0x42: {  	_ =	shalt  }
0x43: {  	_ =	shalt  }
0x44: {  	_ =	shalt  }
0x45: {  	_ =	shalt  }
0x46: {  	_ =	shalt  }
0x47: {  	_ =	shalt  }
0x48: {  	_ =	shalt  }
0x49: {  	_ =	shalt  }
0x4a: {  	_ =	shalt  }
0x4b: {  	_ =	shalt  }
0x4c: {  	_ =	shalt  }
0x4d: {  	_ =	shalt  }
0x4e: {  	_ =	shalt  }
0x4f: {  	_ =	shalt  }
0x50: {  	_ =	shalt  }
0x51: {  	_ =	shalt  }
0x52: {  	_ =	shalt  }
0x53: {  	_ =	shalt  }
0x54: {  	_ =	shalt  }
0x55: {  	_ =	shalt  }
0x56: {  	_ =	shalt  }
0x57: {  	_ =	shalt  }
0x58: {  	_ =	shalt  }
0x59: {  	_ =	shalt  }
0x5a: {  	_ =	shalt  }
0x5b: {  	_ =	shalt  }
0x5c: {  	_ =	shalt  }
0x5d: {  	_ =	shalt  }
0x5e: {  	_ =	shalt  }
0x5f: {  	_ =	shalt  }
0x60: {  	_ =	shalt  }
0x61: {  	_ =	shalt  }
0x62: {  	_ =	shalt  }
0x63: {  	_ =	shalt  }
0x64: {  	_ =	shalt  }
0x65: {  	_ =	shalt  }
0x66: {  	_ =	shalt  }
0x67: {  	_ =	shalt  }
0x68: {  	_ =	shalt  }
0x69: {  	_ =	shalt  }
0x6a: {  	_ =	shalt  }
0x6b: {  	_ =	shalt  }
0x6c: {  	_ =	shalt  }
0x6d: {  	_ =	shalt  }
0x6e: {  	_ =	shalt  }
0x6f: {  	_ =	shalt  }
0x70: {  	_ =	shalt  }
0x71: {  	_ =	shalt  }
0x72: {  	_ =	shalt  }
0x73: {  	_ =	shalt  }
0x74: {  	_ =	shalt  }
0x75: {  	_ =	shalt  }
0x76: {  	_ =	shalt  }
0x77: {  	_ =	shalt  }
0x78: {  	_ =	shalt  }
0x79: {  	_ =	shalt  }
0x7a: {  	_ =	shalt  }
0x7b: {  	_ =	shalt  }
0x7c: {  	_ =	shalt  }
0x7d: {  	_ =	shalt  }
0x7e: {  	_ =	shalt  }
0x7f: {  	_ =	shalt  }
0x80: {  	_ =	shalt  }
0x81: {  	_ =	shalt  }
0x82: {  	_ =	shalt  }
0x83: {  	_ =	shalt  }
0x84: {  	_ =	shalt  }
0x85: {  	_ =	shalt  }
0x86: {  	_ =	shalt  }
0x87: {  	_ =	shalt  }
.Lfunc_end0:
.L_simem_size_0:
called_computation.1_lowered:
.L_overlay_start_0:
0x88: {  	s2 =	sld [smem:$0x3FD9]  }
0x89: {  	s3 =	sld [smem:$0x3FFE];
	_ =	sdelay $0x1  }
0x8a: {  	s1 =	srdreg.scid  }
0x8b: {  	s0 =	sand.u32 $0x1, s1  }
0x8c: {  	s16 =	sshll.u32 s0, $0xA;
	s2 =	sadd.s32 s3, s2  }
0x8d: {  	s2 =	sadd.s32 s2, s16  }
0x8e: {  	[smem:$0x3FBF] =	sst s2  }
0x8f: {  	_ = 	snop  }
0x90: {  	(tm) =	ssettm $0x1  }
0x91: {  	s17 =	sld [smem:$0x3FFB];
	_ =	sdelay $0x3  }
0x92: {  	_ =	strace s17  }
0x93: {  	s2 =	sld [smem:$0x3FFC];
	_ =	sdelay $0x3  }
0x94: {  	_ =	strace s2  }
0x95: {  	s2 =	sld [smem:$0x3FFD];
	_ =	sdelay $0x3  }
0x96: {  	_ =	strace s2  }
0x97: {  	_ =	strace $0x8FFFFFFF  }
0x98: {  	s18 =	sld [smem:$0x3FDB];
	_ =	sdelay $0x1  }
0x99: {  	s19 =	simm.s32 $_scs_section_size  }
0x9a: {  	s4 =	simm.s32 $_size__tile_overlayer_lowered;
	s5 =	simm.s32 $_tile_overlayer_lowered  }
0x9b: {  	s22 =	simm.s32 $0x1BFF;
	s21 =	sshll.u32 s5, $0x1;
	s2 =	sadd.s32 s19, s18  }
0x9c: {  	s6 =	simm.s32 $0x0;
	s20 =	sshll.u32 s4, $0x1;
	s4 =	sadd.s32 s21, s2  }
0x9d: {  	[timem:s6], [sflag:s22] =	dma.local [hbm:s4], s20  }
0x9e: {  	_ =	swait.ge [sflag:s22], s20  }
0x9f: {  	s3 =	ssub.s32 $0x0, s20;
	[sflag:s22] =	ssyncset.done $0x0  }
0xa0: {  	[sflag:s22] =	ssyncadd.s32 s3;
	_ =	sdelay $0x1  }
0xa1: {  	s23 =	simm.s32 $0x1B8B  }
0xa2: {  	_ =	swait.ge [sflag:s23], $0x1  }
0xa3: {  	[sflag:s23] =	ssyncset.done $0x0  }
0xa4: {  	s25 =	simm.s32 $0x1B8E;
	s24 =	sld [smem:$0x3FFE];
	[sflag:s23] =	ssyncadd.s32 $0xFFFFFFFF  }
0xa5: {  	s26 =	simm.s32 $execute0_lowered;
	[smem:$0x3FD2] =	sst s25  }
0xa6: {  	s4 =	sshll.u32 s26, $0x1;
	_ =	strace $0x80000046;
	[dreg:$0x1] =	wrdreg $0xFFFFFFFF  }
0xa7: {  	s28 =	simm.s32 $_size_execute0_lowered;
	s2 =	sadd.s32 s2, s4;
	[dreg:$0x0] =	wrdreg $0x0  }
0xa8: {  	s4 =	sshll.u32 s28, $0x1;
	[dreg:$0x2] =	wrdreg s2  }
0xa9: {  	[dreg:$0x3] =	wrdreg s4  }
0xaa: {  	[dreg:$0x4] =	wrdreg $0xC0  }
0xab: {  	_ =	task [dreg:s6], $0x5FFFF  }
0xac: {  	[dreg:$0x1] =	wrdreg $0xFFFFFFFF  }
0xad: {  	[dreg:$0x0] =	wrdreg $0x60  }
0xae: {  	[dreg:$0x2] =	wrdreg s24  }
0xaf: {  	[dreg:$0x3] =	wrdreg $0x9  }
0xb0: {  	_ =	task.clear_ibuf [dreg:s6], $0x4FFFF;
	_ =	strace $0x90000046  }
0xb1: {  	s29 =	simm.s32 $0x9;
	_ =	strace $0x80000048  }
0xb2: {  	_ =	swait.ge [sflag:s29], $0x1  }
0xb3: {  	[sflag:s29] =	ssyncadd.s32 $0xFFFFFFFF  }
0xb4: {  	_ =	strace $0x90000048  }
0xb5: {  	_ =	sfence  }
0xb6: {  	s30 =	sld [smem:$0x0];
	_ =	sdelay $0x2  }
0xb7: {  	s31 =	sshll.u32 s1, $0xD;
	s1 =	sshrl.u32 s1, $0x2  }
0xb8: {  	s3 =	sand.u32 $0x4000, s31;
	s1 =	sadd.s32 s1, s30  }
0xb9: {  	s0 =	sor.u32 s3, s0;
	s1 =	sshll.u32 s1, $0x11  }
0xba: {  	s0 =	sor.u32 s1, s0  }
0xbb: {  	s0 =	sadd.s32 $0x8F2B, s0  }
0xbc: {  	[sflag:s0] =	ssyncadd.remote.s32 $0x1  }
0xbd: {  	_ =	sfence.sel $0xFFFF  }
0xbe: {  	[dreg:$0x0] =	wrdreg $0xFFFFFFFF;
	(pc) =	sbr.abs _section_cstart, $3  }
0xbf: {  	[dreg:$0x1] =	wrdreg $0xFFFFFFFF  }
0xc0: {  	_ =	task.clear_ibuf [dreg:s6], $0x2FFFF;
	_ =	strace $0x9FFFFFFF  }
0xc1: {  	(tm) =	ssettm $0x7FFFFFFF  }
tec
execute0_lowered:
.L_overlay_start_1:
0x0: {  	(tag) =	ssettag $0x1  }
0x1: {  	s1 =	srdreg.scid  }
0x2: {  	s0 =	stileid.u32;
	s2 =	rddreg [dreg:$0x0];
	s1 =	sshll.u32 s1, $0x5  }
0x3: {  	s6 =	simm.s32 $0x1;
	s3 =	sshll.u32 s0, $0x6;
	s1 =	sand.u32 $0x20, s1  }
0x4: {  	s30 =	simm.s32 $0x2;
	s31 =	simm.s32 $0x3;
	s3 =	sor.u32 s3, s1  }
0x5: {  	s11 =	simm.s32 $0x0;
	s8 =	simm.s32 $0x0;
	s5 =	ssub.s32 $0x600, s3  }
0x6: {  	s9 =	simm.s32 $0x0;
	s4 =	sadd.s32 $0x11E00, s2;
	s7 =	sand.u32 $0x3E0, s5  }
0x7: {  	s1 =	rddreg [dreg:$0x1];
	_ =	strace $0x80000047;
	p0 =	sne.s32 s7, $0x0  }
0x8: {  	[sflag:s6] =	ssyncpa.u1 $0x0;
	s5 =	sshrl.u32 s5, $0xA;
	s6 =	simm.s32 @!p0 $0x0  }
0x9: {  	s10 =	smov.u32 s3;
	[sflag:s30] =	ssyncpa.u1 $0x0;
	s5 =	sadd.s32 s6, s5  }
0xa: {  	[sflag:s31] =	ssyncpa.u1 $0x0;
	s6 =	sadd.s32 $0x12800, s2;
	s7 =	sadd.s32 $0x1, s5  }
.LBB2_1:
0xb: {  	p0 =	sge.u32 s9, s5  }
0xc: {  	s31 =	sadd.s32 $0xFFFFFFFF, s9;
	s12 =	sxor.u32 @!p0 $0xFFFFFFFF, s8;
	s13 =	sshrl.u32 @!p0 s10, $0x3  }
0xd: {  	s14 =	sand.u32 @!p0 $0x7, s10;
	s12 =	sand.u32 @!p0 $0x20, s12;
	s13 =	sadd.s32 @!p0 s6, s13  }
0xe: {  	[tilespmem:s12], [sflag:$0x2] =	stream.linear.gather @!p0 [hbm4b:s13+s14], $0x20, $0x38;
	[tilespmem:$0x80] =	vst v63  }
0xf: {  	p0 =	sge.u32 s31, s5  }
0x10: {  	s12 =	simm.s32 @!p0 $0x2  }
0x11: {  	_ =	swait.ge @!p0 [sflag:s12], $0x20  }
0x12: {  	[sflag:s12] =	ssyncset.done @!p0 $0x0  }
0x13: {  	[sflag:s12] =	ssyncadd.s32 @!p0 $0xFFFFFFE0;
	s12 =	sand.u32 @!p0 $0x20, s8  }
0x14: {  	(ifvalue) =	ssetifvalue @!p0 $0x7FFFFFFF;
	v0 =	vld.msk @!p0 [tilespmem:s12+$0x0 ss:$0x1], $0xffff;
	_ =	sdelay $0x4  }
0x15: {  	vm0 =	vgt.s32 @!p0 v0, $0x0  }
0x16: {  	v0 =	vnsel @!p0 vm0, $0x0, v0  }
0x17: {  	v0 =	vmin.u32 @!p0 v0, $0x4FFF;
	_ =	sdelay $0x2  }
0x18: {  	s14 =	simm.s32 @!p0 $0x0  }
0x19: {  	s13 =	sor.u32 @!p0 $0x40, s12;
	(ifvalue) =	ssetifvalue @!p0 $0x7FFFFFFF;
	s15 =	sor.u32 @!p0 $0x10, s12;
	vm0 =	vmmov @!p0 $0xffff  }
0x1a: {  	[tilespmem:s13], [sflag:$0x1] =	stream.indirect_vreg.gather @!p0 [hbm4b:s4+s14], $0x1, v0, vm0, $0x4038;
	[tilespmem:$0x80] =	vst v63  }
0x1b: {  	v0 =	vld.msk @!p0 [tilespmem:s15+$0x0 ss:$0x1], $0xffff;
	_ =	sdelay $0x4  }
0x1c: {  	vm1 =	vgt.s32 @!p0 v0, $0x0  }
0x1d: {  	v0 =	vnsel @!p0 vm1, $0x0, v0  }
0x1e: {  	v0 =	vmin.u32 @!p0 v0, $0x4FFF;
	_ =	sdelay $0x3  }
0x1f: {  	s12 =	sor.u32 @!p0 $0x50, s12;
	(ifvalue) =	ssetifvalue @!p0 $0x7FFFFFFF  }
0x20: {  	[tilespmem:s12], [sflag:$0x1] =	stream.indirect_vreg.gather @!p0 [hbm4b:s4+s14], $0x1, v0, vm0, $0x4038;
	[tilespmem:$0x80] =	vst v63  }
0x21: {  	s12 =	simm.s32 @!p0 $0x1  }
0x22: {  	_ =	swait.ge @!p0 [sflag:s12], $0x20  }
0x23: {  	s14 =	sshrl.u32 @!p0 s11, $0x3;
	[sflag:s12] =	ssyncset.done @!p0 $0x0  }
0x24: {  	s11 =	sand.u32 @!p0 $0x7, s11;
	[sflag:s12] =	ssyncadd.s32 @!p0 $0xFFFFFFE0;
	s12 =	sadd.s32 @!p0 s2, s14  }
0x25: {  	[hbm4b:s12+s11] =	stream.linear.scatter @!p0 [tilespmem:s13], [sflag:$0x3], $0x20, $0x38;
	[tilespmem:$0x80] =	vst v63  }
0x26: {  	s13 =	sadd.s32 $0x400, s10  }
0x27: {  	p1 =	sgt.s32 s13, $0x5FF  }
0x28: {  	s13 =	smov.u32 @p1 s3;
	p1 =	sne.s32 s9, s7  }
.Ltmp0:
0x29: {  	p0 =	slt.u32 s9, $0x2;
	(pc) =	sbr.rel @p1 .LBB2_1-.Ltmp0, $4  }
0x2a: {  	s12 =	simm.s32 @!p0 $0x3  }
0x2b: {  	_ =	swait.ge @!p0 [sflag:s12], $0x20  }
0x2c: {  	s8 =	sadd.s32 $0x20, s8;
	s11 =	smov.u32 s10;
	[sflag:s12] =	ssyncset.done @!p0 $0x0  }
0x2d: {  	s9 =	sadd.s32 $0x1, s9;
	s10 =	smov.u32 s13;
	[sflag:s12] =	ssyncadd.s32 @!p0 $0xFFFFFFE0  }
0x2e: {  	_ =	sfence.sel $0x180000  }
0x2f: {  	s2 =	simm.s32 $0x2;
	[bflag:$0x0] =	sbarrier.arrive $0xFFFF  }
0x30: {  	s30 =	simm.s32 $0x3;
	[sflag:s2] =	ssyncpa.u1 $0x1  }
0x31: {  	s31 =	simm.s32 $0x1;
	[sflag:s30] =	ssyncpa.u1 $0x1  }
0x32: {  	[sflag:s31] =	ssyncpa.u1 $0x1  }
0x33: {  	p0 =	sne.s32 s0, $0x0;
	_ =	strace $0x90000047  }
0x34: {  	s0 =	sadd.s32 @!p0 $0x100000, s1;
	[bflag:$0x2] =	sbarrier.arrive $0xFFFF  }
0x35: {  	[sflag:s0] =	ssyncadd.tile.s32 @!p0 $0x1;
	_ =	shalt  }
.Lfunc_end2:
_tile_overlayer_lowered:
.L_overlay_start_2:
0x36: {  	(tag) =	ssettag $0x2  }
0x37: {  	s0 =	rddreg [dreg:$0x0];
	s2 =	stileid.u32  }
0x38: {  	s1 =	rddreg [dreg:$0x1];
	p0 =	sne.s32 s2, $0x0  }
0x39: {  	s3 =	rddreg [dreg:$0x2];
	[bflag:$0x3] =	sbarrier.arrive $0xFFFF;
	s2 =	simm.s32 @!p0 $0x1C01  }
0x3a: {  	[timem:s3], [sflag:s2] =	dma.local @!p0 [hbm:s0], s1  }
0x3b: {  	s0 =	simm.s32 @!p0 $0x1  }
0x3c: {  	_ =	swait.ge @!p0 [sflag:s0], s1  }
0x3d: {  	s1 =	ssub.s32 @!p0 $0x0, s1;
	[sflag:s0] =	ssyncset.done @!p0 $0x0  }
0x3e: {  	[sflag:s0] =	ssyncadd.s32 @!p0 s1  }
0x3f: {  	[bflag:$0x3] =	sbarrier.arrive $0xFFFF  }
0x40: {  	_ =	shalt  }

// kernel: gather_offload_async_start
scs
__scs_entry_jumppad:
0x0: {  	(pc) =	sbr.rel $0x88, $3  }
0x1: {  	(tag) =	ssettag $0x0;
	lr =	simm.s32 $0x1  }
0x2: {  	[smem:$0x3F98] =	sst lr;
	_ =	strace $0xD0000000  }
0x3: {  	_ = 	snop  }
0x4: {  	_ = 	snop  }
0x5: {  	_ = 	snop  }
0x6: {  	_ = 	snop  }
0x7: {  	_ = 	snop  }
__scs_overlays_trampoline_lowered:
0x8: {  	[smem:$0x3FA7] =	sst s0  }
0x9: {  	[smem:$0x3FA8] =	sst s1  }
0xa: {  	[smem:$0x3FA9] =	sst s2  }
0xb: {  	[smem:$0x3FAA] =	sst s3  }
0xc: {  	[smem:$0x3FAB] =	sst s4  }
0xd: {  	[smem:$0x3FAC] =	sst s5  }
0xe: {  	[smem:$0x3FAD] =	sst s6  }
0xf: {  	[smem:$0x3FAE] =	sst s7  }
0x10: {  	[smem:$0x3FAF] =	sst s8  }
0x11: {  	[smem:$0x3FB0] =	sst s9;
	s0 =	simm.s32 @!p0 $0x0  }
0x12: {  	s1 =	sld [smem:$0x3F96];
	s0 =	simm.s32 @p0 $0x1  }
0x13: {  	[smem:$0x3FB1] =	sst s0;
	s0 =	simm.s32 @!p1 $0x0  }
0x14: {  	s2 =	sld [smem:$0x3F95];
	s0 =	simm.s32 @p1 $0x1  }
0x15: {  	[smem:$0x3FB2] =	sst s0;
	s0 =	simm.s32 @!p2 $0x0  }
0x16: {  	s3 =	sld [smem:$0x3FDB];
	s0 =	simm.s32 @p2 $0x1  }
0x17: {  	s4 =	simm.s32 $0x1BF5;
	[smem:$0x3FB4] =	sst s0  }
0x18: {  	s0 =	sld [smem:$0x3F97];
	_ =	swait.ge [sflag:s4], $0x0  }
0x19: {  	s7 =	sld [smem:$0x3F98]  }
0x1a: {  	s8 =	sadd.s32 $0xFFFFE003, lr  }
0x1b: {  	s9 =	sadd.s32 $0xFFFFFEF7, lr;
	s5 =	simm.s32 $0xFFFFFFFF;
	p2 =	slt.u32 s8, $0xFFFFF086  }
0x1c: {  	p1 =	slt.u32 s9, $0xF7A;
	s5 =	simm.s32 @!p2 $0x0  }
0x1d: {  	s5 =	simm.s32 @p1 $0x1;
	p0 =	seq.s32 s7, s2  }
0x1e: {  	s7 =	smul.u32 @!p0 $0xF7A, s2;
	p2 =	seq.s32 @!p0 s5, $0x0  }
0x1f: {  	s9 =	smul.u32 $0xF7A, s1;
	s8 =	simm.s32 @!p0 $0x1BF5;
	p2 =	por !p2, p0  }
0x20: {  	[sflag:s8] =	ssyncset.s32 @!p0 $0xFFFFF086;
	s6 =	sadd.s32 @!p0 s3, s7;
	s7 =	simm.s32 @!p0 $0x108  }
0x21: {  	s3 =	sadd.s32 s3, s9;
	s6 =	sadd.s32 @!p0 $0x88, s6;
	s7 =	simm.s32 @p2 $0x1082  }
0x22: {  	[simem:s7], [sflag:s8] =	dma.local @!p0 [hbm:s6], $0xF7A  }
0x23: {  	s9 =	sor.u32 $0xD0000000, s2;
	s6 =	simm.s32 $0x108;
	_ =	swait.ge @!p0 [sflag:s8], $0x0  }
0x24: {  	s3 =	sadd.s32 $0x88, s3;
	s6 =	simm.s32 @!p1 $0x1082;
	[sflag:s4] =	ssyncset.s32 $0xFFFFF086  }
0x25: {  	[simem:s6], [sflag:s4] =	dma.local [hbm:s3], $0xF7A  }
0x26: {  	[smem:$0x3F98] =	sst s1;
	(tag) =	ssettag s2;
	_ =	strace s9  }
0x27: {  	s1 =	sld [smem:$0x3FA8]  }
0x28: {  	s2 =	sld [smem:$0x3FA9]  }
0x29: {  	s4 =	sld [smem:$0x3FAB]  }
0x2a: {  	p0 =	seq.s32 s5, $0x0;
	s5 =	sld [smem:$0x3FAC]  }
0x2b: {  	s6 =	sld [smem:$0x3FAD]  }
0x2c: {  	s7 =	sld [smem:$0x3FAE]  }
0x2d: {  	s3 =	simm.s32 $0x108;
	s8 =	sld [smem:$0x3FAF]  }
0x2e: {  	s3 =	simm.s32 @!p0 $0x1082;
	s9 =	sld [smem:$0x3FB0]  }
0x2f: {  	lr =	sadd.s32 s0, s3;
	s0 =	sld [smem:$0x3FA7]  }
0x30: {  	s3 =	sld [smem:$0x3FAA]  }
0x31: {  	[smem:$0x3FB3] =	sst s10  }
0x32: {  	s10 =	sld [smem:$0x3FB1];
	_ =	sdelay $0x3  }
0x33: {  	p0 =	seq.s32 s10, $0x1;
	s10 =	sld [smem:$0x3FB3];
	_ =	sdelay $0x3  }
0x34: {  	[smem:$0x3FB3] =	sst s10  }
0x35: {  	s10 =	sld [smem:$0x3FB2];
	_ =	sdelay $0x3  }
0x36: {  	p1 =	seq.s32 s10, $0x1;
	s10 =	sld [smem:$0x3FB3];
	_ =	sdelay $0x3  }
0x37: {  	[smem:$0x3FB3] =	sst s10  }
0x38: {  	s10 =	sld [smem:$0x3FB4]  }
0x39: {  	_ = 	snop;
	(pc) =	sbr.ind lr, $3  }
0x3a: {  	_ = 	snop  }
0x3b: {  	_ = 	snop  }
0x3c: {  	p2 =	seq.s32 s10, $0x1;
	s10 =	sld [smem:$0x3FB3]  }
0x3d: {  	_ =	shalt  }
0x3e: {  	_ =	shalt  }
0x3f: {  	_ =	shalt  }
0x40: {  	_ =	shalt  }
0x41: {  	_ =	shalt  }
0x42: {  	_ =	shalt  }
0x43: {  	_ =	shalt  }
0x44: {  	_ =	shalt  }
0x45: {  	_ =	shalt  }
0x46: {  	_ =	shalt  }
0x47: {  	_ =	shalt  }
0x48: {  	_ =	shalt  }
0x49: {  	_ =	shalt  }
0x4a: {  	_ =	shalt  }
0x4b: {  	_ =	shalt  }
0x4c: {  	_ =	shalt  }
0x4d: {  	_ =	shalt  }
0x4e: {  	_ =	shalt  }
0x4f: {  	_ =	shalt  }
0x50: {  	_ =	shalt  }
0x51: {  	_ =	shalt  }
0x52: {  	_ =	shalt  }
0x53: {  	_ =	shalt  }
0x54: {  	_ =	shalt  }
0x55: {  	_ =	shalt  }
0x56: {  	_ =	shalt  }
0x57: {  	_ =	shalt  }
0x58: {  	_ =	shalt  }
0x59: {  	_ =	shalt  }
0x5a: {  	_ =	shalt  }
0x5b: {  	_ =	shalt  }
0x5c: {  	_ =	shalt  }
0x5d: {  	_ =	shalt  }
0x5e: {  	_ =	shalt  }
0x5f: {  	_ =	shalt  }
0x60: {  	_ =	shalt  }
0x61: {  	_ =	shalt  }
0x62: {  	_ =	shalt  }
0x63: {  	_ =	shalt  }
0x64: {  	_ =	shalt  }
0x65: {  	_ =	shalt  }
0x66: {  	_ =	shalt  }
0x67: {  	_ =	shalt  }
0x68: {  	_ =	shalt  }
0x69: {  	_ =	shalt  }
0x6a: {  	_ =	shalt  }
0x6b: {  	_ =	shalt  }
0x6c: {  	_ =	shalt  }
0x6d: {  	_ =	shalt  }
0x6e: {  	_ =	shalt  }
0x6f: {  	_ =	shalt  }
0x70: {  	_ =	shalt  }
0x71: {  	_ =	shalt  }
0x72: {  	_ =	shalt  }
0x73: {  	_ =	shalt  }
0x74: {  	_ =	shalt  }
0x75: {  	_ =	shalt  }
0x76: {  	_ =	shalt  }
0x77: {  	_ =	shalt  }
0x78: {  	_ =	shalt  }
0x79: {  	_ =	shalt  }
0x7a: {  	_ =	shalt  }
0x7b: {  	_ =	shalt  }
0x7c: {  	_ =	shalt  }
0x7d: {  	_ =	shalt  }
0x7e: {  	_ =	shalt  }
0x7f: {  	_ =	shalt  }
0x80: {  	_ =	shalt  }
0x81: {  	_ =	shalt  }
0x82: {  	_ =	shalt  }
0x83: {  	_ =	shalt  }
0x84: {  	_ =	shalt  }
0x85: {  	_ =	shalt  }
0x86: {  	_ =	shalt  }
0x87: {  	_ =	shalt  }
.Lfunc_end0:
.L_simem_size_0:
called_computation_lowered:
.L_overlay_start_0:
0x88: {  	s2 =	sld [smem:$0x3FD9]  }
0x89: {  	s3 =	sld [smem:$0x3FFE];
	_ =	sdelay $0x1  }
0x8a: {  	s1 =	srdreg.scid  }
0x8b: {  	s0 =	sand.u32 $0x1, s1  }
0x8c: {  	s16 =	sshll.u32 s0, $0xA;
	s2 =	sadd.s32 s3, s2  }
0x8d: {  	s2 =	sadd.s32 s2, s16  }
0x8e: {  	[smem:$0x3FBF] =	sst s2  }
0x8f: {  	_ = 	snop  }
0x90: {  	(tm) =	ssettm $0x1  }
0x91: {  	s17 =	sld [smem:$0x3FFB];
	_ =	sdelay $0x3  }
0x92: {  	_ =	strace s17  }
0x93: {  	s2 =	sld [smem:$0x3FFC];
	_ =	sdelay $0x3  }
0x94: {  	_ =	strace s2  }
0x95: {  	s2 =	sld [smem:$0x3FFD];
	_ =	sdelay $0x3  }
0x96: {  	_ =	strace s2  }
0x97: {  	_ =	strace $0x8FFFFFFF  }
0x98: {  	s18 =	sld [smem:$0x3FDB];
	_ =	sdelay $0x1  }
0x99: {  	s19 =	simm.s32 $_scs_section_size  }
0x9a: {  	s4 =	simm.s32 $_size__tile_overlayer_lowered;
	s5 =	simm.s32 $_tile_overlayer_lowered  }
0x9b: {  	s22 =	simm.s32 $0x1BFF;
	s21 =	sshll.u32 s5, $0x1;
	s2 =	sadd.s32 s19, s18  }
0x9c: {  	s6 =	simm.s32 $0x0;
	s20 =	sshll.u32 s4, $0x1;
	s4 =	sadd.s32 s21, s2  }
0x9d: {  	[timem:s6], [sflag:s22] =	dma.local [hbm:s4], s20  }
0x9e: {  	_ =	swait.ge [sflag:s22], s20  }
0x9f: {  	s3 =	ssub.s32 $0x0, s20;
	[sflag:s22] =	ssyncset.done $0x0  }
0xa0: {  	[sflag:s22] =	ssyncadd.s32 s3;
	_ =	sdelay $0x1  }
0xa1: {  	s23 =	simm.s32 $0x1B8B  }
0xa2: {  	_ =	swait.ge [sflag:s23], $0x1  }
0xa3: {  	[sflag:s23] =	ssyncset.done $0x0  }
0xa4: {  	s25 =	simm.s32 $0x1B8E;
	s24 =	sld [smem:$0x3FFE];
	[sflag:s23] =	ssyncadd.s32 $0xFFFFFFFF  }
0xa5: {  	s26 =	simm.s32 $execute0_lowered;
	[smem:$0x3FD2] =	sst s25  }
0xa6: {  	s4 =	sshll.u32 s26, $0x1;
	_ =	strace $0x8000004C;
	[dreg:$0x1] =	wrdreg $0xFFFFFFFF  }
0xa7: {  	s28 =	simm.s32 $_size_execute0_lowered;
	s2 =	sadd.s32 s2, s4;
	[dreg:$0x0] =	wrdreg $0x0  }
0xa8: {  	s4 =	sshll.u32 s28, $0x1;
	[dreg:$0x2] =	wrdreg s2  }
0xa9: {  	[dreg:$0x3] =	wrdreg s4  }
0xaa: {  	[dreg:$0x4] =	wrdreg $0xC0  }
0xab: {  	_ =	task [dreg:s6], $0x5FFFF  }
0xac: {  	[dreg:$0x1] =	wrdreg $0xFFFFFFFF  }
0xad: {  	[dreg:$0x0] =	wrdreg $0x60  }
0xae: {  	[dreg:$0x2] =	wrdreg s24  }
0xaf: {  	[dreg:$0x3] =	wrdreg $0x9  }
0xb0: {  	_ =	task.clear_ibuf [dreg:s6], $0x4FFFF;
	_ =	strace $0x9000004C  }
0xb1: {  	s29 =	simm.s32 $0x9;
	_ =	strace $0x8000004E  }
0xb2: {  	_ =	swait.ge [sflag:s29], $0x1  }
0xb3: {  	[sflag:s29] =	ssyncadd.s32 $0xFFFFFFFF  }
0xb4: {  	_ =	strace $0x9000004E  }
0xb5: {  	_ =	sfence  }
0xb6: {  	s30 =	sld [smem:$0x0];
	_ =	sdelay $0x2  }
0xb7: {  	s31 =	sshll.u32 s1, $0xD;
	s1 =	sshrl.u32 s1, $0x2  }
0xb8: {  	s3 =	sand.u32 $0x4000, s31;
	s1 =	sadd.s32 s1, s30  }
0xb9: {  	s0 =	sor.u32 s3, s0;
	s1 =	sshll.u32 s1, $0x11  }
0xba: {  	s0 =	sor.u32 s1, s0  }
0xbb: {  	s0 =	sadd.s32 $0x8F2B, s0  }
0xbc: {  	[sflag:s0] =	ssyncadd.remote.s32 $0x1  }
0xbd: {  	_ =	sfence.sel $0xFFFF  }
0xbe: {  	[dreg:$0x0] =	wrdreg $0xFFFFFFFF;
	(pc) =	sbr.abs _section_cstart, $3  }
0xbf: {  	[dreg:$0x1] =	wrdreg $0xFFFFFFFF  }
0xc0: {  	_ =	task.clear_ibuf [dreg:s6], $0x2FFFF;
	_ =	strace $0x9FFFFFFF  }
0xc1: {  	(tm) =	ssettm $0x7FFFFFFF  }
tec
execute0_lowered:
.L_overlay_start_1:
0x0: {  	(tag) =	ssettag $0x1  }
0x1: {  	s0 =	srdreg.scid;
	s5 =	rddreg [dreg:$0x0]  }
0x2: {  	s1 =	stileid.u32;
	s6 =	simm.s32 $0x1;
	s9 =	simm.s32 $0x1  }
0x3: {  	s10 =	simm.s32 $0x3;
	s13 =	simm.s32 $0x0;
	s2 =	sshll.u32 s0, $0x9  }
0x4: {  	s12 =	simm.s32 $0x0;
	s3 =	sshll.u32 s1, $0xA;
	s2 =	sand.u32 $0x200, s2  }
0x5: {  	s0 =	rddreg [dreg:$0x1];
	_ =	strace $0x8000004D;
	s2 =	sor.u32 s3, s2  }
0x6: {  	s4 =	sadd.s32 $0x400, s5;
	[sflag:s6] =	ssyncpa.u1 $0x0;
	s8 =	ssub.s32 $0x5000, s2  }
.Ltmp0:
0x7: {  	s3 =	sadd.s32 $0x11E00, s5;
	s7 =	sand.u32 $0x3E00, s8;
	(pc) =	sbr.rel .LBB2_1-.Ltmp0, $4  }
0x8: {  	s5 =	sadd.s32 $0xE00, s5;
	s11 =	smov.u32 s2;
	p0 =	sne.s32 s7, $0x0  }
0x9: {  	s8 =	sshrl.u32 s8, $0xE;
	s7 =	simm.s32 $0x2;
	s9 =	simm.s32 @!p0 $0x0  }
0xa: {  	[sflag:s7] =	ssyncpa.u1 $0x0;
	p0 =	por $0x0, $0x0;
	s8 =	sadd.s32 s9, s8  }
0xb: {  	vm0 =	vmmov $0xffff;
	[sflag:s10] =	ssyncpa.u1 $0x0;
	s10 =	simm.s32 $0x0;
	s9 =	sadd.s32 $0x1, s8  }
.LBB2_4:
0xc: {  	v2 =	vnsel vm1, $0x0, v2  }
0xd: {  	vm1 =	vgt.s32 v0, $0x0;
	v2 =	vmin.u32 v2, $0x4FFF  }
0xe: {  	v0 =	vnsel vm1, $0x0, v0  }
0xf: {  	v0 =	vmin.u32 v0, $0x4FFF  }
0x10: {  	[tilespmem:s15], [sflag:$0x1] =	stream.indirect_vreg.gather [hbm4b:s3+s10], $0x1, v1, vm0, $0x4038;
	[tilespmem:$0x800] =	vst v63  }
0x11: {  	(ifvalue) =	ssetifvalue $0x7FFFFFFF  }
0x12: {  	[tilespmem:s16], [sflag:$0x1] =	stream.indirect_vreg.gather [hbm4b:s3+s10], $0x1, v2, vm0, $0x4038;
	[tilespmem:$0x800] =	vst v63  }
0x13: {  	s29 =	sadd.s32 $0x10, s16;
	(ifvalue) =	ssetifvalue $0x7FFFFFFF  }
0x14: {  	[tilespmem:s29], [sflag:$0x1] =	stream.indirect_vreg.gather [hbm4b:s3+s10], $0x1, v0, vm0, $0x4038;
	[tilespmem:$0x800] =	vst v63  }
0x15: {  	_ =	swait.ge [sflag:s6], $0x200  }
0x16: {  	s30 =	sshrl.u32 s13, $0x3;
	[sflag:s6] =	ssyncset.done $0x0  }
0x17: {  	s31 =	sand.u32 $0x7, s13;
	s15 =	sadd.s32 s5, s30;
	[sflag:s6] =	ssyncadd.s32 $0xFFFFFE00  }
0x18: {  	[hbm4b:s15+s31] =	stream.linear.scatter [tilespmem:s14], [sflag:$0x3], $0x200, $0x38;
	[tilespmem:$0x800] =	vst v63  }
.LBB2_5:
0x19: {  	s15 =	sadd.s32 $0x4000, s11  }
0x1a: {  	p2 =	sgt.s32 s15, $0x4FFF  }
0x1b: {  	s15 =	smov.u32 @p2 s2;
	p2 =	sne.s32 s12, s9  }
.Ltmp1:
0x1c: {  	p1 =	slt.u32 s12, $0x2;
	(pc) =	sbr.rel @!p2 .LBB2_6-.Ltmp1, $4  }
0x1d: {  	s14 =	simm.s32 @!p1 $0x3  }
0x1e: {  	s16 =	sadd.s32 $0x1, s12;
	_ =	swait.ge @!p1 [sflag:s14], $0x200  }
0x1f: {  	s13 =	smov.u32 s11;
	p0 =	por !p0, !p0;
	[sflag:s14] =	ssyncset.done @!p1 $0x0  }
0x20: {  	s12 =	smov.u32 s16;
	s11 =	smov.u32 s15;
	[sflag:s14] =	ssyncadd.s32 @!p1 $0xFFFFFE00  }
.LBB2_1:
0x21: {  	p1 =	sge.u32 s12, s8  }
0x22: {  	s14 =	sxor.u32 @!p1 $0xFFFFFFFF, s12  }
0x23: {  	s31 =	sadd.s32 $0xFFFFFFFF, s12;
	s15 =	sshrl.u32 @!p1 s11, $0x3;
	s14 =	sshll.u32 @!p1 s14, $0x9  }
0x24: {  	s16 =	sand.u32 @!p1 $0x7, s11;
	s15 =	sadd.s32 @!p1 s4, s15;
	s14 =	sand.u32 @!p1 $0x200, s14  }
0x25: {  	[tilespmem:s14], [sflag:$0x2] =	stream.linear.gather @!p1 [hbm4b:s15+s16], $0x200, $0x38;
	[tilespmem:$0x800] =	vst v63  }
0x26: {  	p1 =	sge.u32 s31, s8  }
.Ltmp2:
0x27: {  	_ = 	snop;
	(pc) =	sbr.rel @p1 .LBB2_5-.Ltmp2, $1  }
0x28: {  	_ =	sdelay $0x3  }
0x29: {  	s14 =	simm.s32 $0x1  }
0x2a: {  	_ =	swait.ge [sflag:s7], $0x200;
	s14 =	simm.s32 @!p0 $0x0  }
0x2b: {  	[sflag:s7] =	ssyncset.done $0x0;
	s14 =	sshll.u32 s14, $0x9  }
0x2c: {  	[sflag:s7] =	ssyncadd.s32 $0xFFFFFE00;
	(ifvalue) =	ssetifvalue $0x7FFFFFFF;
	v0 =	vld.msk [tilespmem:s14+$0x0 ss:$0x1], $0xffff;
	_ =	sdelay $0x4  }
0x2d: {  	s15 =	sadd.s32 $0x10, s14;
	vm1 =	vgt.s32 v0, $0x0  }
0x2e: {  	v2 =	vld.msk [tilespmem:s15+$0x0 ss:$0x1], $0xffff;
	v1 =	vnsel vm1, $0x0, v0  }
0x2f: {  	v1 =	vmin.u32 v1, $0x4FFF;
	_ =	sdelay $0x1  }
0x30: {  	s16 =	sshll.u32 s12, $0x9;
	s18 =	simm.s32 $0x20  }
0x31: {  	s16 =	sand.u32 $0x200, s16;
	s17 =	sadd.s32 $0x10, s15;
	s15 =	sor.u32 $0x400, s14  }
0x32: {  	s14 =	sor.u32 $0x400, s16;
	s16 =	sadd.s32 $0x10, s15;
	v0 =	vld.msk [tilespmem:s17+$0x0 ss:$0x1], $0xffff;
	vm1 =	vgt.s32 v2, $0x0;
	(ifvalue) =	ssetifvalue $0x7FFFFFFF  }
.LBB2_3:
0x33: {  	[tilespmem:s15], [sflag:$0x1] =	stream.indirect_vreg.gather [hbm4b:s3+s10], $0x1, v1, vm0, $0x4038;
	[tilespmem:$0x800] =	vst v63  }
0x34: {  	s18 =	sadd.s32 $0x10, s18  }
0x35: {  	v2 =	vnsel vm1, $0x0, v2;
	p1 =	slt.u32 s18, $0x1F0  }
.Ltmp3:
0x36: {  	s15 =	smov.u32 s16;
	v1 =	vmin.u32 v2, $0x4FFF;
	(pc) =	sbr.rel @p1 .LBB2_3-.Ltmp3, $3  }
0x37: {  	_ =	sdelay $0x1  }
0x38: {  	s17 =	sadd.s32 $0x10, s17  }
0x39: {  	vm1 =	vgt.s32 v0, $0x0;
	s16 =	sadd.s32 $0x10, s16;
	v2 =	vmov v0;
	(ifvalue) =	ssetifvalue $0x7FFFFFFF;
	v0 =	vld.msk [tilespmem:s17+$0x0 ss:$0x1], $0xffff  }
.Ltmp4:
0x3a: {  	_ = 	snop;
	(pc) =	sbr.rel .LBB2_4-.Ltmp4, $1  }
0x3b: {  	_ =	sdelay $0x3  }
.LBB2_6:
0x3c: {  	_ =	sfence.sel $0x180000  }
0x3d: {  	s2 =	simm.s32 $0x2;
	[bflag:$0x0] =	sbarrier.arrive $0xFFFF  }
0x3e: {  	s30 =	simm.s32 $0x3;
	[sflag:s2] =	ssyncpa.u1 $0x1  }
0x3f: {  	s31 =	simm.s32 $0x1;
	[sflag:s30] =	ssyncpa.u1 $0x1  }
0x40: {  	[sflag:s31] =	ssyncpa.u1 $0x1  }
0x41: {  	p0 =	sne.s32 s1, $0x0;
	_ =	strace $0x9000004D  }
0x42: {  	s0 =	sadd.s32 @!p0 $0x100000, s0;
	[bflag:$0x2] =	sbarrier.arrive $0xFFFF  }
0x43: {  	[sflag:s0] =	ssyncadd.tile.s32 @!p0 $0x1;
	_ =	shalt  }
.Lfunc_end2:
_tile_overlayer_lowered:
.L_overlay_start_2:
0x44: {  	(tag) =	ssettag $0x2  }
0x45: {  	s0 =	rddreg [dreg:$0x0];
	s2 =	stileid.u32  }
0x46: {  	s1 =	rddreg [dreg:$0x1];
	p0 =	sne.s32 s2, $0x0  }
0x47: {  	s3 =	rddreg [dreg:$0x2];
	[bflag:$0x3] =	sbarrier.arrive $0xFFFF;
	s2 =	simm.s32 @!p0 $0x1C01  }
0x48: {  	[timem:s3], [sflag:s2] =	dma.local @!p0 [hbm:s0], s1  }
0x49: {  	s0 =	simm.s32 @!p0 $0x1  }
0x4a: {  	_ =	swait.ge @!p0 [sflag:s0], s1  }
0x4b: {  	s1 =	ssub.s32 @!p0 $0x0, s1;
	[sflag:s0] =	ssyncset.done @!p0 $0x0  }
0x4c: {  	[sflag:s0] =	ssyncadd.s32 @!p0 s1  }
0x4d: {  	[bflag:$0x3] =	sbarrier.arrive $0xFFFF  }
0x4e: {  	_ =	shalt  }

// kernel: kernel.3.cloned.1.call-start
scs
__scs_entry_jumppad:
0x0: {  	(pc) =	sbr.rel $0x88, $3  }
0x1: {  	(tag) =	ssettag $0x0;
	lr =	simm.s32 $0x1  }
0x2: {  	[smem:$0x3F98] =	sst lr;
	_ =	strace $0xD0000000  }
0x3: {  	_ = 	snop  }
0x4: {  	_ = 	snop  }
0x5: {  	_ = 	snop  }
0x6: {  	_ = 	snop  }
0x7: {  	_ = 	snop  }
__scs_overlays_trampoline_lowered:
0x8: {  	[smem:$0x3FA7] =	sst s0  }
0x9: {  	[smem:$0x3FA8] =	sst s1  }
0xa: {  	[smem:$0x3FA9] =	sst s2  }
0xb: {  	[smem:$0x3FAA] =	sst s3  }
0xc: {  	[smem:$0x3FAB] =	sst s4  }
0xd: {  	[smem:$0x3FAC] =	sst s5  }
0xe: {  	[smem:$0x3FAD] =	sst s6  }
0xf: {  	[smem:$0x3FAE] =	sst s7  }
0x10: {  	[smem:$0x3FAF] =	sst s8  }
0x11: {  	[smem:$0x3FB0] =	sst s9;
	s0 =	simm.s32 @!p0 $0x0  }
0x12: {  	s1 =	sld [smem:$0x3F96];
	s0 =	simm.s32 @p0 $0x1  }
0x13: {  	[smem:$0x3FB1] =	sst s0;
	s0 =	simm.s32 @!p1 $0x0  }
0x14: {  	s2 =	sld [smem:$0x3F95];
	s0 =	simm.s32 @p1 $0x1  }
0x15: {  	[smem:$0x3FB2] =	sst s0;
	s0 =	simm.s32 @!p2 $0x0  }
0x16: {  	s3 =	sld [smem:$0x3FDB];
	s0 =	simm.s32 @p2 $0x1  }
0x17: {  	s4 =	simm.s32 $0x1BF5;
	[smem:$0x3FB4] =	sst s0  }
0x18: {  	s0 =	sld [smem:$0x3F97];
	_ =	swait.ge [sflag:s4], $0x0  }
0x19: {  	s7 =	sld [smem:$0x3F98]  }
0x1a: {  	s8 =	sadd.s32 $0xFFFFE003, lr  }
0x1b: {  	s9 =	sadd.s32 $0xFFFFFEF7, lr;
	s5 =	simm.s32 $0xFFFFFFFF;
	p2 =	slt.u32 s8, $0xFFFFF086  }
0x1c: {  	p1 =	slt.u32 s9, $0xF7A;
	s5 =	simm.s32 @!p2 $0x0  }
0x1d: {  	s5 =	simm.s32 @p1 $0x1;
	p0 =	seq.s32 s7, s2  }
0x1e: {  	s7 =	smul.u32 @!p0 $0xF7A, s2;
	p2 =	seq.s32 @!p0 s5, $0x0  }
0x1f: {  	s9 =	smul.u32 $0xF7A, s1;
	s8 =	simm.s32 @!p0 $0x1BF5;
	p2 =	por !p2, p0  }
0x20: {  	[sflag:s8] =	ssyncset.s32 @!p0 $0xFFFFF086;
	s6 =	sadd.s32 @!p0 s3, s7;
	s7 =	simm.s32 @!p0 $0x108  }
0x21: {  	s3 =	sadd.s32 s3, s9;
	s6 =	sadd.s32 @!p0 $0x88, s6;
	s7 =	simm.s32 @p2 $0x1082  }
0x22: {  	[simem:s7], [sflag:s8] =	dma.local @!p0 [hbm:s6], $0xF7A  }
0x23: {  	s9 =	sor.u32 $0xD0000000, s2;
	s6 =	simm.s32 $0x108;
	_ =	swait.ge @!p0 [sflag:s8], $0x0  }
0x24: {  	s3 =	sadd.s32 $0x88, s3;
	s6 =	simm.s32 @!p1 $0x1082;
	[sflag:s4] =	ssyncset.s32 $0xFFFFF086  }
0x25: {  	[simem:s6], [sflag:s4] =	dma.local [hbm:s3], $0xF7A  }
0x26: {  	[smem:$0x3F98] =	sst s1;
	(tag) =	ssettag s2;
	_ =	strace s9  }
0x27: {  	s1 =	sld [smem:$0x3FA8]  }
0x28: {  	s2 =	sld [smem:$0x3FA9]  }
0x29: {  	s4 =	sld [smem:$0x3FAB]  }
0x2a: {  	p0 =	seq.s32 s5, $0x0;
	s5 =	sld [smem:$0x3FAC]  }
0x2b: {  	s6 =	sld [smem:$0x3FAD]  }
0x2c: {  	s7 =	sld [smem:$0x3FAE]  }
0x2d: {  	s3 =	simm.s32 $0x108;
	s8 =	sld [smem:$0x3FAF]  }
0x2e: {  	s3 =	simm.s32 @!p0 $0x1082;
	s9 =	sld [smem:$0x3FB0]  }
0x2f: {  	lr =	sadd.s32 s0, s3;
	s0 =	sld [smem:$0x3FA7]  }
0x30: {  	s3 =	sld [smem:$0x3FAA]  }
0x31: {  	[smem:$0x3FB3] =	sst s10  }
0x32: {  	s10 =	sld [smem:$0x3FB1];
	_ =	sdelay $0x3  }
0x33: {  	p0 =	seq.s32 s10, $0x1;
	s10 =	sld [smem:$0x3FB3];
	_ =	sdelay $0x3  }
0x34: {  	[smem:$0x3FB3] =	sst s10  }
0x35: {  	s10 =	sld [smem:$0x3FB2];
	_ =	sdelay $0x3  }
0x36: {  	p1 =	seq.s32 s10, $0x1;
	s10 =	sld [smem:$0x3FB3];
	_ =	sdelay $0x3  }
0x37: {  	[smem:$0x3FB3] =	sst s10  }
0x38: {  	s10 =	sld [smem:$0x3FB4]  }
0x39: {  	_ = 	snop;
	(pc) =	sbr.ind lr, $3  }
0x3a: {  	_ = 	snop  }
0x3b: {  	_ = 	snop  }
0x3c: {  	p2 =	seq.s32 s10, $0x1;
	s10 =	sld [smem:$0x3FB3]  }
0x3d: {  	_ =	shalt  }
0x3e: {  	_ =	shalt  }
0x3f: {  	_ =	shalt  }
0x40: {  	_ =	shalt  }
0x41: {  	_ =	shalt  }
0x42: {  	_ =	shalt  }
0x43: {  	_ =	shalt  }
0x44: {  	_ =	shalt  }
0x45: {  	_ =	shalt  }
0x46: {  	_ =	shalt  }
0x47: {  	_ =	shalt  }
0x48: {  	_ =	shalt  }
0x49: {  	_ =	shalt  }
0x4a: {  	_ =	shalt  }
0x4b: {  	_ =	shalt  }
0x4c: {  	_ =	shalt  }
0x4d: {  	_ =	shalt  }
0x4e: {  	_ =	shalt  }
0x4f: {  	_ =	shalt  }
0x50: {  	_ =	shalt  }
0x51: {  	_ =	shalt  }
0x52: {  	_ =	shalt  }
0x53: {  	_ =	shalt  }
0x54: {  	_ =	shalt  }
0x55: {  	_ =	shalt  }
0x56: {  	_ =	shalt  }
0x57: {  	_ =	shalt  }
0x58: {  	_ =	shalt  }
0x59: {  	_ =	shalt  }
0x5a: {  	_ =	shalt  }
0x5b: {  	_ =	shalt  }
0x5c: {  	_ =	shalt  }
0x5d: {  	_ =	shalt  }
0x5e: {  	_ =	shalt  }
0x5f: {  	_ =	shalt  }
0x60: {  	_ =	shalt  }
0x61: {  	_ =	shalt  }
0x62: {  	_ =	shalt  }
0x63: {  	_ =	shalt  }
0x64: {  	_ =	shalt  }
0x65: {  	_ =	shalt  }
0x66: {  	_ =	shalt  }
0x67: {  	_ =	shalt  }
0x68: {  	_ =	shalt  }
0x69: {  	_ =	shalt  }
0x6a: {  	_ =	shalt  }
0x6b: {  	_ =	shalt  }
0x6c: {  	_ =	shalt  }
0x6d: {  	_ =	shalt  }
0x6e: {  	_ =	shalt  }
0x6f: {  	_ =	shalt  }
0x70: {  	_ =	shalt  }
0x71: {  	_ =	shalt  }
0x72: {  	_ =	shalt  }
0x73: {  	_ =	shalt  }
0x74: {  	_ =	shalt  }
0x75: {  	_ =	shalt  }
0x76: {  	_ =	shalt  }
0x77: {  	_ =	shalt  }
0x78: {  	_ =	shalt  }
0x79: {  	_ =	shalt  }
0x7a: {  	_ =	shalt  }
0x7b: {  	_ =	shalt  }
0x7c: {  	_ =	shalt  }
0x7d: {  	_ =	shalt  }
0x7e: {  	_ =	shalt  }
0x7f: {  	_ =	shalt  }
0x80: {  	_ =	shalt  }
0x81: {  	_ =	shalt  }
0x82: {  	_ =	shalt  }
0x83: {  	_ =	shalt  }
0x84: {  	_ =	shalt  }
0x85: {  	_ =	shalt  }
0x86: {  	_ =	shalt  }
0x87: {  	_ =	shalt  }
.Lfunc_end0:
.L_simem_size_0:
called_computation.3_lowered:
.L_overlay_start_0:
0x88: {  	s2 =	sld [smem:$0x3FD9]  }
0x89: {  	s3 =	sld [smem:$0x3FFE];
	_ =	sdelay $0x1  }
0x8a: {  	s1 =	srdreg.scid  }
0x8b: {  	s0 =	sand.u32 $0x1, s1  }
0x8c: {  	s14 =	sshll.u32 s0, $0xA;
	s2 =	sadd.s32 s3, s2  }
0x8d: {  	s2 =	sadd.s32 s2, s14  }
0x8e: {  	[smem:$0x3FBF] =	sst s2  }
0x8f: {  	_ = 	snop  }
0x90: {  	s2 =	sld [smem:$0x3FD0];
	_ =	sdelay $0x2  }
0x91: {  	s15 =	simm.s32 $0xA;
	s4 =	simm.s32 $0x10  }
0x92: {  	[smem:s4], [sflag:s15] =	dma.local [hbm:s2], $0x1  }
0x93: {  	_ =	swait.eq [sflag:s15], $0x1  }
0x94: {  	[sflag:s15] =	ssyncset.done $0x0  }
0x95: {  	[sflag:s15] =	ssyncadd.s32 $0xFFFFFFFF  }
0x96: {  	s16 =	sld [smem:$0x10];
	(tm) =	ssettm $0x1  }
0x97: {  	s17 =	sld [smem:$0x3FFB];
	_ =	sdelay $0x3  }
0x98: {  	_ =	strace s17  }
0x99: {  	s3 =	sld [smem:$0x3FFC];
	_ =	sdelay $0x3  }
0x9a: {  	_ =	strace s3  }
0x9b: {  	s3 =	sld [smem:$0x3FFD];
	_ =	sdelay $0x3  }
0x9c: {  	_ =	strace s3  }
0x9d: {  	_ =	strace $0x8FFFFFFF  }
0x9e: {  	s18 =	sld [smem:$0x3FDB];
	_ =	sdelay $0x1  }
0x9f: {  	s19 =	simm.s32 $_scs_section_size  }
0xa0: {  	s5 =	simm.s32 $_size__tile_overlayer_lowered;
	s6 =	simm.s32 $_tile_overlayer_lowered  }
0xa1: {  	s22 =	simm.s32 $0x1BFF;
	s21 =	sshll.u32 s6, $0x1;
	s3 =	sadd.s32 s19, s18  }
0xa2: {  	s7 =	simm.s32 $0x0;
	s20 =	sshll.u32 s5, $0x1;
	s5 =	sadd.s32 s21, s3  }
0xa3: {  	[timem:s7], [sflag:s22] =	dma.local [hbm:s5], s20  }
0xa4: {  	_ =	swait.ge [sflag:s22], s20  }
0xa5: {  	s4 =	ssub.s32 $0x0, s20;
	[sflag:s22] =	ssyncset.done $0x0  }
0xa6: {  	[sflag:s22] =	ssyncadd.s32 s4;
	_ =	sdelay $0x1  }
0xa7: {  	s23 =	simm.s32 $0x1B8B  }
0xa8: {  	_ =	swait.ge [sflag:s23], $0x1  }
0xa9: {  	[sflag:s23] =	ssyncset.done $0x0  }
0xaa: {  	s25 =	simm.s32 $0x1B8E;
	s24 =	sld [smem:$0x3FFE];
	[sflag:s23] =	ssyncadd.s32 $0xFFFFFFFF  }
0xab: {  	s26 =	simm.s32 $execute0_lowered;
	[smem:$0x3FD2] =	sst s25  }
0xac: {  	s5 =	sshll.u32 s26, $0x1;
	_ =	strace $0x80000049;
	[dreg:$0x1] =	wrdreg $0xFFFFFFFF  }
0xad: {  	s28 =	simm.s32 $_size_execute0_lowered;
	s3 =	sadd.s32 s3, s5;
	[dreg:$0x0] =	wrdreg $0x0  }
0xae: {  	s5 =	sshll.u32 s28, $0x1;
	[dreg:$0x2] =	wrdreg s3  }
0xaf: {  	[dreg:$0x3] =	wrdreg s5  }
0xb0: {  	[dreg:$0x4] =	wrdreg $0xC0  }
0xb1: {  	_ =	task [dreg:s7], $0x5FFFF  }
0xb2: {  	[dreg:$0x1] =	wrdreg $0xFFFFFFFF  }
0xb3: {  	[dreg:$0x0] =	wrdreg $0x60  }
0xb4: {  	[dreg:$0x2] =	wrdreg s24  }
0xb5: {  	[dreg:$0x3] =	wrdreg s16  }
0xb6: {  	[dreg:$0x4] =	wrdreg $0x9  }
0xb7: {  	_ =	task.clear_ibuf [dreg:s7], $0x5FFFF;
	_ =	strace $0x90000049  }
0xb8: {  	s29 =	simm.s32 $0x9;
	_ =	strace $0x8000004B  }
0xb9: {  	_ =	swait.ge [sflag:s29], $0x1  }
0xba: {  	[sflag:s29] =	ssyncadd.s32 $0xFFFFFFFF  }
0xbb: {  	_ =	strace $0x9000004B  }
0xbc: {  	_ =	sfence  }
0xbd: {  	s30 =	sld [smem:$0x0];
	_ =	sdelay $0x2  }
0xbe: {  	s31 =	sshll.u32 s1, $0xD;
	s1 =	sshrl.u32 s1, $0x2  }
0xbf: {  	s3 =	sand.u32 $0x4000, s31;
	s1 =	sadd.s32 s1, s30  }
0xc0: {  	s0 =	sor.u32 s3, s0;
	s1 =	sshll.u32 s1, $0x11  }
0xc1: {  	s0 =	sor.u32 s1, s0  }
0xc2: {  	s0 =	sadd.s32 $0x8F2B, s0  }
0xc3: {  	[sflag:s0] =	ssyncadd.remote.s32 $0x1  }
0xc4: {  	_ =	sfence.sel $0xFFFF  }
0xc5: {  	[dreg:$0x0] =	wrdreg $0xFFFFFFFF;
	(pc) =	sbr.abs _section_cstart, $3  }
0xc6: {  	[dreg:$0x1] =	wrdreg $0xFFFFFFFF  }
0xc7: {  	_ =	task.clear_ibuf [dreg:s7], $0x2FFFF;
	_ =	strace $0x9FFFFFFF  }
0xc8: {  	(tm) =	ssettm $0x7FFFFFFF  }
0xc9: {  	_ =	shalt  }
tec
execute0_lowered:
.L_overlay_start_1:
0x0: {  	(tag) =	ssettag $0x1  }
0x1: {  	s1 =	rddreg [dreg:$0x0]  }
0x2: {  	s2 =	rddreg [dreg:$0x1]  }
0x3: {  	s3 =	srdreg.scid;
	s0 =	rddreg [dreg:$0x2]  }
0x4: {  	_ =	strace $0x8000004A;
	s10 =	simm.s32 $0xA80;
	s11 =	simm.s32 $0x1280  }
0x5: {  	s12 =	simm.s32 $0x680;
	s7 =	sand.u32 $0x1, s3;
	s4 =	sadd.s32 $0x12800, s1  }
0x6: {  	s5 =	sadd.s32 $0x12A00, s1;
	s3 =	stileid.u32;
	s8 =	ssub.s32 $0x2, s7  }
0x7: {  	s6 =	sadd.s32 $0x200, s1;
	s13 =	sor.u32 s3, s7;
	s9 =	sshrl.u32 s8, $0x1  }
0x8: {  	v0 =	vimm.s32 $0xFFFFFFFF;
	p0 =	sne.s32 s13, $0x0;
	s13 =	simm.s32 $0x0;
	s8 =	ssub.s32 s8, s9  }
0x9: {  	v1 =	vlaneseq.u32;
	vm0 =	vmxor vm0, vm0;
	vm1 =	vmmov $0x1;
	s9 =	simm.s32 $0x1;
	s7 =	smax.u32 s8, $0x1;
	s8 =	simm.s32 $0x0  }
.LBB2_1:
0xa: {  	[tilespmem:s8], [sflag:$0x1] =	stream.linear.gather [hbm4b:s4+s8], $0x600, $0x38;
	[tilespmem:$0x1A80] =	vst v63  }
0xb: {  	_ =	swait.ge [sflag:s9], $0x600  }
0xc: {  	[sflag:s9] =	ssyncset.done $0x0  }
0xd: {  	s14 =	simm.s32 $0x40;
	s15 =	simm.s32 $0x0;
	[sflag:s9] =	ssyncadd.s32 $0xFFFFFA00  }
.LBB2_2:
0xe: {  	p1 =	sne.s32 s14, $0x1FC0;
	[tilespmem:s15+$0xA80] =	vst v0;
	s16 =	smov.u32 s14;
	s14 =	sadd.s32 $0x40, s14  }
.Ltmp0:
0xf: {  	[tilespmem:s15+$0x1280] =	vst v0;
	(pc) =	sbr.rel @p1 .LBB2_2-.Ltmp0, $2  }
0x10: {  	_ =	sdelay $0x2  }
0x11: {  	s15 =	sshra.s32 s16, $0x2  }
0x12: {  	[tilespmem:s15+$0xA80] =	vst v0  }
0x13: {  	s16 =	simm.s32 $0x0;
	[tilespmem:s15+$0x1280] =	vst v0;
	s14 =	simm.s32 $0x0  }
.LBB2_4:
0x14: {  	p1 =	sne.s32 s14, $0xCC0  }
.Ltmp1:
0x15: {  	_ = 	snop;
	(pc) =	sbr.rel @p1 .LBB2_4-.Ltmp1, $3  }
0x16: {  	_ =	sdelay $0x1  }
0x17: {  	s15 =	sshra.s32 s14, $0x2  }
0x18: {  	s14 =	sadd.s32 $0x40, s14;
	[tilespmem:s15+$0x680] =	vst v0  }
0x19: {  	s14 =	simm.s32 $0xFFFFFFFC;
	s15 =	simm.s32 $0x2  }
.LBB2_6:
0x1a: {  	v2 =	vld [tilespmem:s15+$0xFFFFFFFE];
	_ =	sdelay $0x4  }
0x1b: {  	(v2sf) =	vpush v2, $0x0;
	_ =	sdelay $0xe  }
0x1c: {  	s17 =	spop (v2sf)  }
0x1d: {  	s18 =	sshra.s32 s17, $0xC  }
0x1e: {  	v2 =	vadd.s32 s18, v1  }
0x1f: {  	vm2 =	vlt.s32 v2, $0x7FF  }
0x20: {  	v3 =	vnsel vm2, $0x7FF, v2;
	_ =	sdelay $0x4  }
0x21: {  	v4 =	vld.idx.msk [tilespmem:v3+s10+$0x0], $0xffff  }
0x22: {  	v3 =	vld.idx.msk [tilespmem:v3+s11+$0x0], $0xffff;
	_ =	sdelay $0x2  }
0x23: {  	s17 =	sand.u32 $0xFFF, s17  }
0x24: {  	vm2 =	vgt.s32 v2, s18;
	vm3 =	vgt.s32 v4, s17  }
0x25: {  	vm4 =	vlt.s32 v3, s18;
	vm2 =	vmand vm2, vm3;
	vm3 =	vlt.s32 v2, s17  }
0x26: {  	vm5 =	vle.s32 v2, s17;
	vm14 =	vgt.s32 v3, $0xFFFFFFFF;
	vm3 =	vmand vm3, vm4  }
0x27: {  	vm2 =	vmand vm2, vm5;
	vm3 =	vmand vm3, vm14  }
0x28: {  	vm2 =	vmor vm2, vm3  }
0x29: {  	v2 =	vmpcnt.ones.xlane vm2;
	_ =	sdelay $0x1  }
0x2a: {  	(v2sf) =	vpush v2, $0x0;
	_ =	sdelay $0x7  }
0x2b: {  	(v2sf) =	vpush v4, $0x0;
	_ =	sdelay $0x6  }
0x2c: {  	s19 =	spop (v2sf)  }
0x2d: {  	p1 =	slt.s32 s16, $0x333;
	p2 =	seq.s32 s19, $0x0  }
0x2e: {  	p1 =	por !p1, !p2  }
0x2f: {  	vm2 =	vmmov vm0;
	p1 =	por !p1, !p1  }
0x30: {  	vm2 =	vmneg @p1 vm2  }
0x31: {  	s28 =	smin.u32 s17, $0x7FF;
	vm2 =	vmand vm2, vm1  }
0x32: {  	v3 =	vmov s16;
	v2 =	vmov s28  }
0x33: {  	v57 =	vmov s18;
	s29 =	smul.u32 $0x9, s18;
	v2 =	vbroadcast v2, $0x0  }
0x34: {  	s20 =	spop (v2sf)  }
0x35: {  	s19 =	sadd.s32 s17, s29;
	p2 =	sgt.s32 s20, s17  }
0x36: {  	v5 =	vmov s19;
	s17 =	smov.u32 @p2 s20  }
0x37: {  	[tilespmem:v3+s12+$0x0] =	vst.idx.msk vm2, v5;
	v3 =	vmov s17  }
0x38: {  	[tilespmem:v57+s10+$0x0] =	vst.idx.msk vm2, v3  }
0x39: {  	v3 =	vld.idx.msk [tilespmem:v2+s11+$0x0], $0xffff;
	_ =	sdelay $0x4  }
0x3a: {  	(v2sf) =	vpush v3, $0x0;
	_ =	sdelay $0xe  }
0x3b: {  	s17 =	spop (v2sf)  }
0x3c: {  	p3 =	slt.s32 s18, s17  }
0x3d: {  	p2 =	seq.s32 s17, $0xFFFFFFFF;
	s17 =	smov.u32 @p3 s18  }
0x3e: {  	s17 =	smov.u32 @p2 s18  }
0x3f: {  	v3 =	vmov s17  }
0x40: {  	[tilespmem:v2+s11+$0x0] =	vst.idx.msk vm2, v3  }
0x41: {  	v2 =	vld [tilespmem:s15+$0xFFFFFFFF];
	_ =	sdelay $0x4  }
0x42: {  	(v2sf) =	vpush v2, $0x0;
	_ =	sdelay $0xe  }
0x43: {  	s30 =	spop (v2sf)  }
0x44: {  	s18 =	sshra.s32 s30, $0xC  }
0x45: {  	v2 =	vadd.s32 s18, v1  }
0x46: {  	vm2 =	vlt.s32 v2, $0x7FF  }
0x47: {  	v3 =	vnsel vm2, $0x7FF, v2;
	_ =	sdelay $0x4  }
0x48: {  	v4 =	vld.idx.msk [tilespmem:v3+s10+$0x0], $0xffff  }
0x49: {  	v3 =	vld.idx.msk [tilespmem:v3+s11+$0x0], $0xffff;
	_ =	sdelay $0x2  }
0x4a: {  	s17 =	sand.u32 $0xFFF, s30  }
0x4b: {  	vm2 =	vgt.s32 v2, s18;
	vm3 =	vgt.s32 v4, s17  }
0x4c: {  	vm15 =	vlt.s32 v3, s18;
	vm2 =	vmand vm2, vm3;
	vm3 =	vlt.s32 v2, s17  }
0x4d: {  	vm8 =	vle.s32 v2, s17;
	vm9 =	vgt.s32 v3, $0xFFFFFFFF;
	vm3 =	vmand vm3, vm15  }
0x4e: {  	vm2 =	vmand vm2, vm8;
	vm3 =	vmand vm3, vm9  }
0x4f: {  	vm2 =	vmor vm2, vm3  }
0x50: {  	v2 =	vmpcnt.ones.xlane vm2;
	_ =	sdelay $0x1  }
0x51: {  	(v2sf) =	vpush v2, $0x0;
	_ =	sdelay $0x7  }
0x52: {  	(v2sf) =	vpush v4, $0x0;
	_ =	sdelay $0x4  }
0x53: {  	s19 =	simm.s32 $0x1  }
0x54: {  	s19 =	simm.s32 @!p1 $0x0  }
0x55: {  	s31 =	sadd.s32 s19, s16;
	s20 =	spop (v2sf)  }
0x56: {  	p5 =	slt.s32 s31, $0x333;
	p6 =	seq.s32 s20, $0x0  }
0x57: {  	p1 =	por !p5, !p6  }
0x58: {  	vm2 =	vmmov vm0;
	p1 =	por !p1, !p1  }
0x59: {  	vm2 =	vmneg @p1 vm2  }
0x5a: {  	s21 =	smin.u32 s17, $0x7FF;
	vm2 =	vmand vm2, vm1  }
0x5b: {  	v3 =	vmov s31;
	v2 =	vmov s21  }
0x5c: {  	v58 =	vmov s18;
	s22 =	smul.u32 $0x9, s18;
	v2 =	vbroadcast v2, $0x0  }
0x5d: {  	s20 =	spop (v2sf)  }
0x5e: {  	s19 =	sadd.s32 s17, s22;
	p2 =	sgt.s32 s20, s17  }
0x5f: {  	v59 =	vmov s19;
	s17 =	smov.u32 @p2 s20  }
0x60: {  	[tilespmem:v3+s12+$0x0] =	vst.idx.msk vm2, v59;
	v3 =	vmov s17  }
0x61: {  	[tilespmem:v58+s10+$0x0] =	vst.idx.msk vm2, v3  }
0x62: {  	v3 =	vld.idx.msk [tilespmem:v2+s11+$0x0], $0xffff;
	_ =	sdelay $0x4  }
0x63: {  	(v2sf) =	vpush v3, $0x0;
	_ =	sdelay $0xe  }
0x64: {  	s17 =	spop (v2sf)  }
0x65: {  	p3 =	slt.s32 s18, s17  }
0x66: {  	p2 =	seq.s32 s17, $0xFFFFFFFF;
	s17 =	smov.u32 @p3 s18  }
0x67: {  	s17 =	smov.u32 @p2 s18  }
0x68: {  	v3 =	vmov s17  }
0x69: {  	[tilespmem:v2+s11+$0x0] =	vst.idx.msk vm2, v3  }
0x6a: {  	v2 =	vld [tilespmem:s15+$0x0];
	_ =	sdelay $0x4  }
0x6b: {  	(v2sf) =	vpush v2, $0x0;
	_ =	sdelay $0xe  }
0x6c: {  	s23 =	spop (v2sf)  }
0x6d: {  	s18 =	sshra.s32 s23, $0xC  }
0x6e: {  	v2 =	vadd.s32 s18, v1  }
0x6f: {  	vm2 =	vlt.s32 v2, $0x7FF  }
0x70: {  	v3 =	vnsel vm2, $0x7FF, v2;
	_ =	sdelay $0x4  }
0x71: {  	v4 =	vld.idx.msk [tilespmem:v3+s10+$0x0], $0xffff  }
0x72: {  	v3 =	vld.idx.msk [tilespmem:v3+s11+$0x0], $0xffff;
	_ =	sdelay $0x2  }
0x73: {  	s17 =	sand.u32 $0xFFF, s23  }
0x74: {  	vm2 =	vgt.s32 v2, s18;
	vm3 =	vgt.s32 v4, s17  }
0x75: {  	vm10 =	vlt.s32 v3, s18;
	vm2 =	vmand vm2, vm3;
	vm3 =	vlt.s32 v2, s17  }
0x76: {  	vm11 =	vle.s32 v2, s17;
	vm12 =	vgt.s32 v3, $0xFFFFFFFF;
	vm3 =	vmand vm3, vm10  }
0x77: {  	vm2 =	vmand vm2, vm11;
	vm3 =	vmand vm3, vm12  }
0x78: {  	vm2 =	vmor vm2, vm3  }
0x79: {  	v2 =	vmpcnt.ones.xlane vm2;
	_ =	sdelay $0x1  }
0x7a: {  	(v2sf) =	vpush v2, $0x0;
	_ =	sdelay $0x7  }
0x7b: {  	(v2sf) =	vpush v4, $0x0;
	_ =	sdelay $0x4  }
0x7c: {  	s19 =	simm.s32 $0x1  }
0x7d: {  	s19 =	simm.s32 @!p1 $0x0  }
0x7e: {  	s16 =	sadd.s32 s19, s31;
	s24 =	spop (v2sf)  }
0x7f: {  	p3 =	slt.s32 s16, $0x333;
	p4 =	seq.s32 s24, $0x0  }
0x80: {  	p1 =	por !p3, !p4  }
0x81: {  	vm2 =	vmmov vm0;
	p1 =	por !p1, !p1  }
0x82: {  	vm2 =	vmneg @p1 vm2  }
0x83: {  	s25 =	smin.u32 s17, $0x7FF;
	vm2 =	vmand vm2, vm1  }
0x84: {  	v3 =	vmov s16;
	v2 =	vmov s25  }
0x85: {  	v60 =	vmov s18;
	s26 =	smul.u32 $0x9, s18;
	v2 =	vbroadcast v2, $0x0  }
0x86: {  	s20 =	spop (v2sf)  }
0x87: {  	s19 =	sadd.s32 s17, s26;
	p2 =	sgt.s32 s20, s17  }
0x88: {  	v61 =	vmov s19;
	s17 =	smov.u32 @p2 s20  }
0x89: {  	[tilespmem:v3+s12+$0x0] =	vst.idx.msk vm2, v61;
	v3 =	vmov s17  }
0x8a: {  	[tilespmem:v60+s10+$0x0] =	vst.idx.msk vm2, v3  }
0x8b: {  	v3 =	vld.idx.msk [tilespmem:v2+s11+$0x0], $0xffff;
	_ =	sdelay $0x4  }
0x8c: {  	(v2sf) =	vpush v3, $0x0;
	_ =	sdelay $0xe  }
0x8d: {  	s17 =	spop (v2sf)  }
0x8e: {  	p3 =	slt.s32 s18, s17  }
0x8f: {  	p2 =	seq.s32 s17, $0xFFFFFFFF;
	s17 =	smov.u32 @p3 s18  }
0x90: {  	s17 =	smov.u32 @p2 s18  }
0x91: {  	v3 =	vmov s17  }
0x92: {  	[tilespmem:v2+s11+$0x0] =	vst.idx.msk vm2, v3  }
0x93: {  	v2 =	vld [tilespmem:s15+$0x1];
	_ =	sdelay $0x4  }
0x94: {  	(v2sf) =	vpush v2, $0x0;
	_ =	sdelay $0xe  }
0x95: {  	s28 =	spop (v2sf)  }
0x96: {  	s18 =	sshra.s32 s28, $0xC  }
0x97: {  	v2 =	vadd.s32 s18, v1  }
0x98: {  	vm2 =	vlt.s32 v2, $0x7FF  }
0x99: {  	v3 =	vnsel vm2, $0x7FF, v2;
	_ =	sdelay $0x4  }
0x9a: {  	v4 =	vld.idx.msk [tilespmem:v3+s10+$0x0], $0xffff  }
0x9b: {  	v3 =	vld.idx.msk [tilespmem:v3+s11+$0x0], $0xffff;
	_ =	sdelay $0x2  }
0x9c: {  	s17 =	sand.u32 $0xFFF, s28  }
0x9d: {  	vm2 =	vgt.s32 v2, s18;
	vm3 =	vgt.s32 v4, s17  }
0x9e: {  	vm13 =	vlt.s32 v3, s18;
	vm2 =	vmand vm2, vm3;
	vm3 =	vlt.s32 v2, s17  }
0x9f: {  	vm14 =	vle.s32 v2, s17;
	vm15 =	vgt.s32 v3, $0xFFFFFFFF;
	vm3 =	vmand vm3, vm13  }
0xa0: {  	vm2 =	vmand vm2, vm14;
	vm3 =	vmand vm3, vm15  }
0xa1: {  	vm2 =	vmor vm2, vm3  }
0xa2: {  	v2 =	vmpcnt.ones.xlane vm2;
	_ =	sdelay $0x1  }
0xa3: {  	(v2sf) =	vpush v2, $0x0;
	_ =	sdelay $0x7  }
0xa4: {  	(v2sf) =	vpush v4, $0x0;
	_ =	sdelay $0x4  }
0xa5: {  	s19 =	simm.s32 $0x1  }
0xa6: {  	s19 =	simm.s32 @!p1 $0x0  }
0xa7: {  	s16 =	sadd.s32 s19, s16;
	s29 =	spop (v2sf)  }
0xa8: {  	p5 =	slt.s32 s16, $0x333;
	p6 =	seq.s32 s29, $0x0  }
0xa9: {  	p1 =	por !p5, !p6  }
0xaa: {  	vm2 =	vmmov vm0;
	p1 =	por !p1, !p1  }
0xab: {  	vm2 =	vmneg @p1 vm2  }
0xac: {  	s30 =	smin.u32 s17, $0x7FF;
	vm2 =	vmand vm2, vm1  }
0xad: {  	v3 =	vmov s16;
	v2 =	vmov s30  }
0xae: {  	v62 =	vmov s18;
	s31 =	smul.u32 $0x9, s18;
	v2 =	vbroadcast v2, $0x0  }
0xaf: {  	s20 =	spop (v2sf)  }
0xb0: {  	s19 =	sadd.s32 s17, s31;
	p2 =	sgt.s32 s20, s17  }
0xb1: {  	v63 =	vmov s19;
	s17 =	smov.u32 @p2 s20  }
0xb2: {  	[tilespmem:v3+s12+$0x0] =	vst.idx.msk vm2, v63;
	v3 =	vmov s17  }
0xb3: {  	[tilespmem:v62+s10+$0x0] =	vst.idx.msk vm2, v3  }
0xb4: {  	v3 =	vld.idx.msk [tilespmem:v2+s11+$0x0], $0xffff;
	_ =	sdelay $0x4  }
0xb5: {  	(v2sf) =	vpush v3, $0x0;
	_ =	sdelay $0xe  }
0xb6: {  	s17 =	spop (v2sf)  }
0xb7: {  	p3 =	slt.s32 s18, s17  }
0xb8: {  	p2 =	seq.s32 s17, $0xFFFFFFFF;
	s17 =	smov.u32 @p3 s18  }
0xb9: {  	s14 =	sadd.s32 $0x4, s14;
	s17 =	smov.u32 @p2 s18;
	s18 =	simm.s32 $0x1  }
0xba: {  	s18 =	simm.s32 @!p1 $0x0;
	p1 =	slt.u32 s14, $0x5FC  }
.Ltmp2:
0xbb: {  	_ = 	snop;
	(pc) =	sbr.rel @p1 .LBB2_6-.Ltmp2, $3  }
0xbc: {  	_ =	sdelay $0x1  }
0xbd: {  	v3 =	vmov s17  }
0xbe: {  	s15 =	sadd.s32 $0x4, s15;
	[tilespmem:v2+s11+$0x0] =	vst.idx.msk vm2, v3;
	s16 =	sadd.s32 s18, s16  }
0xbf: {  	v2 =	vmov s16  }
0xc0: {  	s14 =	simm.s32 @!p0 $0x0;
	s15 =	simm.s32 @!p0 $0x680;
	[tilespmem:$0xA00] =	vst v2  }
0xc1: {  	[hbm4b:s2+s14] =	stream.linear.scatter @!p0 [tilespmem:s15], [sflag:$0x1], $0x380, $0x38;
	[tilespmem:$0x1A80] =	vst v63  }
0xc2: {  	s15 =	simm.s32 @!p0 $0x1  }
0xc3: {  	_ =	swait.ge @!p0 [sflag:s15], $0x380  }
0xc4: {  	[sflag:s15] =	ssyncset.done @!p0 $0x0  }
0xc5: {  	s16 =	simm.s32 @!p0 $0xA00;
	[sflag:s15] =	ssyncadd.s32 @!p0 $0xFFFFFC80  }
0xc6: {  	[hbm4b:s5+s14] =	stream.linear.scatter @!p0 [tilespmem:s16], [sflag:$0x1], $0x80, $0x38;
	[tilespmem:$0x1A80] =	vst v63  }
0xc7: {  	_ =	swait.ge @!p0 [sflag:s15], $0x80  }
0xc8: {  	[sflag:s15] =	ssyncset.done @!p0 $0x0  }
0xc9: {  	s16 =	simm.s32 @!p0 $0xA80;
	[sflag:s15] =	ssyncadd.s32 @!p0 $0xFFFFFF80  }
0xca: {  	[hbm4b:s1+s14] =	stream.linear.scatter @!p0 [tilespmem:s16], [sflag:$0x1], $0x800, $0x38;
	[tilespmem:$0x1A80] =	vst v63  }
0xcb: {  	s13 =	sadd.s32 $0x1, s13;
	_ =	swait.ge @!p0 [sflag:s15], $0x800  }
0xcc: {  	p1 =	sne.s32 s13, s7;
	[sflag:s15] =	ssyncset.done @!p0 $0x0  }
.Ltmp3:
0xcd: {  	s16 =	simm.s32 @!p0 $0x1280;
	[sflag:s15] =	ssyncadd.s32 @!p0 $0xFFFFF800;
	(pc) =	sbr.rel @p1 .LBB2_1-.Ltmp3, $4  }
0xce: {  	[hbm4b:s6+s14] =	stream.linear.scatter @!p0 [tilespmem:s16], [sflag:$0x1], $0x800, $0x38;
	[tilespmem:$0x1A80] =	vst v63  }
0xcf: {  	_ =	swait.ge @!p0 [sflag:s15], $0x800  }
0xd0: {  	[sflag:s15] =	ssyncset.done @!p0 $0x0  }
0xd1: {  	[sflag:s15] =	ssyncadd.s32 @!p0 $0xFFFFF800  }
0xd2: {  	_ =	sfence.sel $0x180000  }
0xd3: {  	[bflag:$0x0] =	sbarrier.arrive $0xFFFF  }
0xd4: {  	p0 =	sne.s32 s3, $0x0;
	_ =	strace $0x9000004A  }
0xd5: {  	s0 =	sadd.s32 @!p0 $0x100000, s0;
	[bflag:$0x2] =	sbarrier.arrive $0xFFFF  }
0xd6: {  	[sflag:s0] =	ssyncadd.tile.s32 @!p0 $0x1;
	_ =	shalt  }
.Lfunc_end2:
_tile_overlayer_lowered:
.L_overlay_start_2:
0xd7: {  	(tag) =	ssettag $0x2  }
0xd8: {  	s0 =	rddreg [dreg:$0x0];
	s2 =	stileid.u32  }
0xd9: {  	s1 =	rddreg [dreg:$0x1];
	p0 =	sne.s32 s2, $0x0  }
0xda: {  	s3 =	rddreg [dreg:$0x2];
	[bflag:$0x3] =	sbarrier.arrive $0xFFFF;
	s2 =	simm.s32 @!p0 $0x1C01  }
0xdb: {  	[timem:s3], [sflag:s2] =	dma.local @!p0 [hbm:s0], s1  }
0xdc: {  	s0 =	simm.s32 @!p0 $0x1  }
0xdd: {  	_ =	swait.ge @!p0 [sflag:s0], s1  }
0xde: {  	s1 =	ssub.s32 @!p0 $0x0, s1;
	[sflag:s0] =	ssyncset.done @!p0 $0x0  }
0xdf: {  	[sflag:s0] =	ssyncadd.s32 @!p0 s1  }
0xe0: {  	[bflag:$0x3] =	sbarrier.arrive $0xFFFF  }
0xe1: {  	_ =	shalt  }

</sc_bundles>
